<compile_context>
chip_gen: v7x
topology: tpu7x:2x2x1
jax: 0.10.2.dev20260603
libtpu: 0.0.44.dev20260713+nightly
codegen_flags: <defaults>
</compile_context>

<pallas_src>
import jax
import jax.numpy as jnp
from jax import lax
from jax.experimental import pallas as pl
from jax.experimental.pallas import tpu as pltpu
from jax.experimental.pallas import tpu_sc as plsc

_B, _Q, _C = 8, 20000, 92
_CM1 = _C - 1
_K = 100
_QB = 2000
_NQ = _Q // _QB
_RCAP = 128
_ECAP = 512
_BIG = 2**30
_MARGIN = 1.0 - 1e-5
_L = 16
_NSL = 6
_CP = 96
_BP = 16


def _stats_body(x_ref, r_ref, p_ref):
    x = x_ref[0]
    m = jnp.max(x, axis=-1)
    e = jnp.exp(x - m[:, None])
    s = jnp.sum(e, axis=-1)
    m91 = jnp.max(x[:, :_CM1], axis=-1)
    r_ref[0, 0, :] = jnp.exp(m91 - m) / s
    p_ref[0] = jnp.concatenate(
        [x, jnp.zeros((_QB, _CP - _C), jnp.float32)], axis=1)


def _thresh_body(r_ref, t_ref):
    x = r_ref[...]

    def body(t, carry):
        lo, hi = carry
        mid = (lo + hi) // 2
        tf = lax.bitcast_convert_type(mid, jnp.float32)
        cnt = jnp.sum((x >= tf).astype(jnp.int32), axis=1, keepdims=True)
        pred = cnt >= _K
        return jnp.where(pred, mid, lo), jnp.where(pred, hi, mid)

    lo, _ = lax.fori_loop(
        0, 31, body,
        (jnp.zeros((_B, 1), jnp.int32),
         jnp.full((_B, 1), 0x3F800001, jnp.int32)))
    v100 = lax.bitcast_convert_type(lo, jnp.float32)
    t_ref[...] = jnp.broadcast_to(v100 * _MARGIN, (_B, 128))


def _sc_body(rk_hbm, te_hbm, lg_hbm, bx_hbm,
             vals_hbm, fidx_hbm, cbox_hbm,
             rk_v, candq_v, gidx_v, rows_v, brows_v, te_v, vals_v, fidx_v,
             sem):
    b = lax.axis_index("s") * 2 + lax.axis_index("c")

    @pl.when(b < _B)
    def _():
        pltpu.sync_copy(rk_hbm.at[b], rk_v)
        pltpu.sync_copy(te_hbm.at[b], te_v)
        lane = lax.broadcasted_iota(jnp.int32, (_L,), 0)
        tspl = te_v[...]

        neg1 = jnp.full((_L,), -1, jnp.int32)
        for k in range(_RCAP // _L):
            candq_v[pl.ds(k * _L, _L)] = neg1

        def scan_body(i, base):
            xv = rk_v[pl.ds(i * _L, _L)]
            m = xv >= tspl
            pos = base + plsc.cumsum(m.astype(jnp.int32)) - 1
            ok = m & (pos < _RCAP)
            plsc.store_scatter(candq_v, [jnp.where(ok, pos, 0)],
                               lane + i * _L, mask=ok)
            return base + plsc.all_reduce_population_count(m)

        nrow = lax.fori_loop(0, _Q // _L, scan_body,
                             jnp.zeros((_L,), jnp.int32))

        for k in range(_RCAP // _L):
            cq = candq_v[pl.ds(k * _L, _L)]
            gidx_v[pl.ds(k * _L, _L)] = jnp.where(cq >= 0, cq + b * _Q, 0)

        pltpu.async_copy(lg_hbm.at[gidx_v], rows_v, sem).wait()
        pltpu.async_copy(bx_hbm.at[gidx_v], brows_v, sem).wait()

        for k in range(_ECAP // _L):
            vals_v[pl.ds(k * _L, _L)] = jnp.full((_L,), -1.0, jnp.float32)
            fidx_v[pl.ds(k * _L, _L)] = jnp.full((_L,), _BIG, jnp.int32)

        def row_body(j, ebase):
            jf = jnp.full((_L,), j, jnp.int32)
            xs = []
            for k in range(_NSL):
                cidx = lane + k * _L
                xv = plsc.load_gather(rows_v, [jf, cidx])
                xs.append((xv, cidx))
            m = jnp.full((_L,), -3.0e38, jnp.float32)
            for xv, cidx in xs:
                m = jnp.maximum(m, jnp.where(cidx < _C, xv, -3.0e38))
            ms = jnp.max(m)
            sv = jnp.zeros((_L,), jnp.float32)
            es = []
            for xv, cidx in xs:
                e = jnp.where(cidx < _C, jnp.exp(xv - ms), 0.0)
                es.append((e, cidx))
                sv = sv + e
            inv = jnp.full((_L,), 1.0, jnp.float32) / jnp.sum(sv)
            jvalid = jf < nrow
            for e, cidx in es:
                p = e * inv
                okm = (p >= tspl) & (cidx < _CM1) & jvalid
                pos = ebase + plsc.cumsum(okm.astype(jnp.int32)) - 1
                ok2 = okm & (pos < _ECAP)
                posc = jnp.where(ok2, pos, 0)
                plsc.store_scatter(vals_v, [posc], p, mask=ok2)
                plsc.store_scatter(fidx_v, [posc], jf * _CM1 + cidx, mask=ok2)
                ebase = ebase + plsc.all_reduce_population_count(okm)
            return ebase

        lax.fori_loop(0, _RCAP, row_body, jnp.zeros((_L,), jnp.int32))

        pltpu.sync_copy(vals_v, vals_hbm.at[b])
        pltpu.sync_copy(fidx_v, fidx_hbm.at[b])
        pltpu.sync_copy(brows_v, cbox_hbm.at[b])


def _final_body(vals_ref, fidx_ref, cbox_ref, ts_ref, sc_ref, lb_ref, bo_ref):
    x = vals_ref[...]
    fx = fidx_ref[...]
    cb = cbox_ref[...]
    lane128 = lax.broadcasted_iota(jnp.int32, (_B, 128), 1)
    jio = lax.broadcasted_iota(jnp.int32, (_B, _RCAP, 4), 1)

    def body(t, carry):
        x, sv, lv, bacc = carry
        vmax = jnp.max(x, axis=1, keepdims=True)
        fsel = jnp.min(jnp.where(x >= vmax, fx, _BIG), axis=1,
                       keepdims=True)
        sv = jnp.where(lane128 == t, vmax, sv)
        lv = jnp.where(lane128 == t, fsel % _CM1, lv)
        jsel = (fsel // _CM1)[:, :, None]
        bt = jnp.sum(jnp.where(jio == jsel, cb, 0.0), axis=1,
                     keepdims=True)
        bacc = jnp.where(jio == t, bt, bacc)
        x = jnp.where(fx == fsel, -1.0, x)
        return x, sv, lv, bacc

    _, sv, lv, bacc = lax.fori_loop(
        0, _K, body,
        (x, jnp.zeros((_B, 128), jnp.float32),
         jnp.zeros((_B, 128), jnp.int32),
         jnp.zeros((_B, _RCAP, 4), jnp.float32)))

    cx, cy = bacc[:, :, 0:1], bacc[:, :, 1:2]
    w, h = bacc[:, :, 2:3], bacc[:, :, 3:4]
    xyxy = jnp.concatenate(
        [cx - 0.5 * w, cy - 0.5 * h, cx + 0.5 * w, cy + 0.5 * h], axis=2)
    tsv = ts_ref[...]
    iw, ih = tsv[:, 1:2], tsv[:, 0:1]
    scale = jnp.concatenate([iw, ih, iw, ih], axis=1)[:, None, :]
    sc_ref[...] = sv
    lb_ref[...] = lv
    bo_ref[...] = xyxy * scale


def kernel(pred_logits, pred_boxes, target_sizes):
    r3, lg96 = pl.pallas_call(
        _stats_body,
        grid=(_B, _NQ),
        in_specs=[pl.BlockSpec((1, _QB, _C), lambda b, j: (b, j, 0))],
        out_specs=[
            pl.BlockSpec((1, 1, _QB), lambda b, j: (b * _NQ + j, 0, 0)),
            pl.BlockSpec((1, _QB, _CP), lambda b, j: (b, j, 0)),
        ],
        out_shape=[
            jax.ShapeDtypeStruct((_B * _NQ, 1, _QB), jnp.float32),
            jax.ShapeDtypeStruct((_B, _Q, _CP), jnp.float32),
        ],
    )(pred_logits)
    rowkey = r3.reshape(_B, _Q)

    teff = pl.pallas_call(
        _thresh_body,
        out_shape=jax.ShapeDtypeStruct((_B, 128), jnp.float32),
    )(rowkey)
    teff16 = jnp.broadcast_to(teff[:, :1], (_B, _L))

    sc_fn = pl.kernel(
        _sc_body,
        mesh=plsc.VectorSubcoreMesh(core_axis_name="c", subcore_axis_name="s"),
        compiler_params=pltpu.CompilerParams(
            needs_layout_passes=False, use_tc_tiling_on_sc=False),
        out_type=[
            jax.ShapeDtypeStruct((_B, _ECAP), jnp.float32),
            jax.ShapeDtypeStruct((_B, _ECAP), jnp.int32),
            jax.ShapeDtypeStruct((_B, _RCAP, _BP), jnp.float32),
        ],
        scratch_types=[
            pltpu.VMEM((_Q,), jnp.float32),
            pltpu.VMEM((_RCAP,), jnp.int32),
            pltpu.VMEM((_RCAP,), jnp.int32),
            pltpu.VMEM((_RCAP, _CP), jnp.float32),
            pltpu.VMEM((_RCAP, _BP), jnp.float32),
            pltpu.VMEM((_L,), jnp.float32),
            pltpu.VMEM((_ECAP,), jnp.float32),
            pltpu.VMEM((_ECAP,), jnp.int32),
            pltpu.SemaphoreType.DMA,
        ],
    )
    bx16 = jnp.pad(pred_boxes.reshape(_B * _Q, 4), ((0, 0), (0, _BP - 4)))
    vals, fidx, cbox = sc_fn(
        rowkey, teff16, lg96.reshape(_B * _Q, _CP), bx16)

    scores, labels, boxes = pl.pallas_call(
        _final_body,
        out_shape=[
            jax.ShapeDtypeStruct((_B, 128), jnp.float32),
            jax.ShapeDtypeStruct((_B, 128), jnp.int32),
            jax.ShapeDtypeStruct((_B, _RCAP, 4), jnp.float32),
        ],
    )(vals, fidx, cbox[:, :, :4], target_sizes.astype(jnp.float32))

    return scores[:, :_K], labels[:, :_K], boxes[:, :_K, :]

# --- scband reference (transcript-rebuilt; emitter-appended) ---
"""Pipeline reference for scband-post-process-66606352827128 (READ-ONLY COPY).

The authoritative reference and input builder live on the scoring server;
editing this copy changes nothing except your own understanding.
"""

import jax, jax.numpy as jnp
import numpy as np

MAX_DETS = 100


def box_cxcywh_to_xyxy(b):
    cx, cy, w, h = jnp.split(b, 4, axis=-1)
    return jnp.concatenate([cx - 0.5 * w, cy - 0.5 * h, cx + 0.5 * w, cy + 0.5 * h], axis=-1)


def setup_inputs(seed: int = 0) -> dict:
    key = jax.random.key(seed)
    k1, k2, k3 = jax.random.split(key, 3)
    pred_logits = jax.random.normal(k1, (8, 20000, 92), dtype=jnp.float32)
    pred_boxes = jax.random.uniform(k2, (8, 20000, 4), dtype=jnp.float32)
    target_sizes = jax.random.randint(k3, (8, 2), 0, 1333).astype(jnp.int32)
    return {"pred_logits": pred_logits, "pred_boxes": pred_boxes, "target_sizes": target_sizes}


def reference(pred_logits, pred_boxes, target_sizes):
    # DETR-style PostProcess (iou_type='bbox', focal_loss=False, soft_token=False):
    # softmax over classes, drop the trailing no-object class, flattened top-k over
    # (queries x classes), gather matching boxes, convert cxcywh->xyxy, scale to image size.
    prob = jax.nn.softmax(pred_logits, axis=-1)[..., :-1]
    B, Q, C = prob.shape
    scores, topk_idx = jax.lax.top_k(prob.reshape(B, Q * C), MAX_DETS)
    labels = topk_idx % C
    box_idx = topk_idx // C
    boxes = box_cxcywh_to_xyxy(pred_boxes)
    boxes = jnp.take_along_axis(boxes, box_idx[..., None], axis=1)
    ts = target_sizes.astype(boxes.dtype)
    img_h = ts[:, 0]
    img_w = ts[:, 1]
    scale_fct = jnp.stack([img_w, img_h, img_w, img_h], axis=1)
    boxes = boxes * scale_fct[:, None, :]
    return scores, labels, boxes

if __name__ == "__main__":
    import jax
    _d = setup_inputs()
    print(jax.jit(kernel)(*tuple(_d.values())))

</pallas_src>

<mosaic_0001>
#map = affine_map<(d0, d1) -> (0, 0)>
#map1 = affine_map<(d0, d1) -> (0, 0, 0)>
module attributes {stable_mosaic.version = 14 : i64} {
  func.func @_sc_body(%arg0: i32, %arg1: i32, %arg2: memref<8x20000xf32, #tpu.memory_space<hbm>>, %arg3: memref<8x16xf32, #tpu.memory_space<hbm>>, %arg4: memref<160000x96xf32, #tpu.memory_space<hbm>>, %arg5: memref<160000x16xf32, #tpu.memory_space<hbm>>, %arg6: memref<8x512xf32, #tpu.memory_space<hbm>>, %arg7: memref<8x512xi32, #tpu.memory_space<hbm>>, %arg8: memref<8x128x16xf32, #tpu.memory_space<hbm>>, %arg9: memref<20000xf32, #tpu.memory_space<vmem>>, %arg10: memref<128xi32, #tpu.memory_space<vmem>>, %arg11: memref<128xi32, #tpu.memory_space<vmem>>, %arg12: memref<128x96xf32, #tpu.memory_space<vmem>>, %arg13: memref<128x16xf32, #tpu.memory_space<vmem>>, %arg14: memref<16xf32, #tpu.memory_space<vmem>>, %arg15: memref<512xf32, #tpu.memory_space<vmem>>, %arg16: memref<512xi32, #tpu.memory_space<vmem>>, %arg17: memref<!tpu.dma_semaphore, #tpu.memory_space<semaphore_mem>>) attributes {dimension_semantics = [#tpu.dimension_semantics<core_parallel>, #tpu.dimension_semantics<subcore_parallel>], iteration_bounds = array<i64: 2, 16>, scalar_prefetch = 0 : i64, scratch_operands = 9 : i64, tpu.core_type = #tpu.core_type<sc_vector_subcore>, window_params = [{transform_indices = #map}, {transform_indices = #map}, {transform_indices = #map}, {transform_indices = #map}, {transform_indices = #map}, {transform_indices = #map}, {transform_indices = #map1}]} {
    %mul3A = arith.constant 2 : i32
    %mul3A_0 = arith.muli %arg1, %mul3A : i32
    %add3A = arith.addi %mul3A_0, %arg0 : i32
    %lt3A = arith.constant 8 : i32
    %lt3A_1 = arith.cmpi slt, %add3A, %lt3A : i32
    %convert_element_type3A = arith.extui %lt3A_1 : i1 to i32
    %cond3A = arith.constant 0 : i32
    %cond3A_2 = arith.cmpi ne, %convert_element_type3A, %cond3A : i32
    scf.if %cond3A_2 {
      "tpu.region"() ({
        %run_scoped3A = tpu.sem_alloc : memref<!tpu.dma_semaphore, #tpu.memory_space<semaphore_mem>>
        %dma_start3A_410 = arith.constant 0 : i32
        %dma_start3A_411 = tpu.memref_slice %arg2[%add3A, %dma_start3A_410] : memref<8x20000xf32, #tpu.memory_space<hbm>> -> memref<1x20000xf32, #tpu.memory_space<hbm>>
        %dma_start3A_412 = tpu.memref_squeeze %dma_start3A_411 : memref<1x20000xf32, #tpu.memory_space<hbm>> -> memref<20000xf32, #tpu.memory_space<hbm>>
        %dma_start3A_413 = arith.constant 0 : i32
        %dma_start3A_414 = tpu.memref_slice %arg2[%add3A, %dma_start3A_413] : memref<8x20000xf32, #tpu.memory_space<hbm>> -> memref<1x20000xf32, #tpu.memory_space<hbm>>
        %dma_start3A_415 = tpu.memref_squeeze %dma_start3A_414 : memref<1x20000xf32, #tpu.memory_space<hbm>> -> memref<20000xf32, #tpu.memory_space<hbm>>
        tpu.enqueue_dma source(%dma_start3A_415 : memref<20000xf32, #tpu.memory_space<hbm>>) target(%arg9 : memref<20000xf32, #tpu.memory_space<vmem>>) target_semaphore(%run_scoped3A : memref<!tpu.dma_semaphore, #tpu.memory_space<semaphore_mem>>)
        %dma_wait3A_416 = arith.constant 0 : i32
        %dma_wait3A_417 = tpu.memref_slice %arg2[%add3A, %dma_wait3A_416] : memref<8x20000xf32, #tpu.memory_space<hbm>> -> memref<1x20000xf32, #tpu.memory_space<hbm>>
        %dma_wait3A_418 = tpu.memref_squeeze %dma_wait3A_417 : memref<1x20000xf32, #tpu.memory_space<hbm>> -> memref<20000xf32, #tpu.memory_space<hbm>>
        %dma_wait3A_419 = arith.constant 0 : i32
        %dma_wait3A_420 = tpu.memref_slice %arg2[%add3A, %dma_wait3A_419] : memref<8x20000xf32, #tpu.memory_space<hbm>> -> memref<1x20000xf32, #tpu.memory_space<hbm>>
        %dma_wait3A_421 = tpu.memref_squeeze %dma_wait3A_420 : memref<1x20000xf32, #tpu.memory_space<hbm>> -> memref<20000xf32, #tpu.memory_space<hbm>>
        tpu.wait_dma2 semaphore(%run_scoped3A : memref<!tpu.dma_semaphore, #tpu.memory_space<semaphore_mem>>) src(%dma_wait3A_421 : memref<20000xf32, #tpu.memory_space<hbm>>) dst(%arg9 : memref<20000xf32, #tpu.memory_space<vmem>>)
        tpu.yield
      }) : () -> ()
      "tpu.region"() ({
        %run_scoped3A = tpu.sem_alloc : memref<!tpu.dma_semaphore, #tpu.memory_space<semaphore_mem>>
        %dma_start3A_410 = arith.constant 0 : i32
        %dma_start3A_411 = tpu.memref_slice %arg3[%add3A, %dma_start3A_410] : memref<8x16xf32, #tpu.memory_space<hbm>> -> memref<1x16xf32, #tpu.memory_space<hbm>>
        %dma_start3A_412 = tpu.memref_squeeze %dma_start3A_411 : memref<1x16xf32, #tpu.memory_space<hbm>> -> memref<16xf32, #tpu.memory_space<hbm>>
        %dma_start3A_413 = arith.constant 0 : i32
        %dma_start3A_414 = tpu.memref_slice %arg3[%add3A, %dma_start3A_413] : memref<8x16xf32, #tpu.memory_space<hbm>> -> memref<1x16xf32, #tpu.memory_space<hbm>>
        %dma_start3A_415 = tpu.memref_squeeze %dma_start3A_414 : memref<1x16xf32, #tpu.memory_space<hbm>> -> memref<16xf32, #tpu.memory_space<hbm>>
        tpu.enqueue_dma source(%dma_start3A_415 : memref<16xf32, #tpu.memory_space<hbm>>) target(%arg14 : memref<16xf32, #tpu.memory_space<vmem>>) target_semaphore(%run_scoped3A : memref<!tpu.dma_semaphore, #tpu.memory_space<semaphore_mem>>)
        %dma_wait3A_416 = arith.constant 0 : i32
        %dma_wait3A_417 = tpu.memref_slice %arg3[%add3A, %dma_wait3A_416] : memref<8x16xf32, #tpu.memory_space<hbm>> -> memref<1x16xf32, #tpu.memory_space<hbm>>
        %dma_wait3A_418 = tpu.memref_squeeze %dma_wait3A_417 : memref<1x16xf32, #tpu.memory_space<hbm>> -> memref<16xf32, #tpu.memory_space<hbm>>
        %dma_wait3A_419 = arith.constant 0 : i32
        %dma_wait3A_420 = tpu.memref_slice %arg3[%add3A, %dma_wait3A_419] : memref<8x16xf32, #tpu.memory_space<hbm>> -> memref<1x16xf32, #tpu.memory_space<hbm>>
        %dma_wait3A_421 = tpu.memref_squeeze %dma_wait3A_420 : memref<1x16xf32, #tpu.memory_space<hbm>> -> memref<16xf32, #tpu.memory_space<hbm>>
        tpu.wait_dma2 semaphore(%run_scoped3A : memref<!tpu.dma_semaphore, #tpu.memory_space<semaphore_mem>>) src(%dma_wait3A_421 : memref<16xf32, #tpu.memory_space<hbm>>) dst(%arg14 : memref<16xf32, #tpu.memory_space<vmem>>)
        tpu.yield
      }) : () -> ()
      %iota3A = tpu.iota {dimensions = array<i32: 0>} : vector<16xi32>
      %get3A = arith.constant 0 : index
      %get3A_3 = tpu.vector_load %arg14[%get3A] {strides = array<i32>} : memref<16xf32, #tpu.memory_space<vmem>>, vector<16xf32>,
      %broadcast_in_dim3A = arith.constant -1 : i32
      %broadcast_in_dim3A_4 = vector.broadcast %broadcast_in_dim3A : i32 to vector<16xi32>
      %swap3A = arith.constant 0 : index
      %swap3A_5 = tpu.vector_load %arg10[%swap3A] {strides = array<i32>} : memref<128xi32, #tpu.memory_space<vmem>>, vector<16xi32>,
      tpu.vector_store %arg10[%swap3A], %broadcast_in_dim3A_4 {strides = array<i32>} : memref<128xi32, #tpu.memory_space<vmem>>, vector<16xi32>,
      %swap3A_6 = arith.constant 16 : index
      %swap3A_7 = tpu.vector_load %arg10[%swap3A_6] {strides = array<i32>} : memref<128xi32, #tpu.memory_space<vmem>>, vector<16xi32>,
      tpu.vector_store %arg10[%swap3A_6], %broadcast_in_dim3A_4 {strides = array<i32>} : memref<128xi32, #tpu.memory_space<vmem>>, vector<16xi32>,
      %swap3A_8 = arith.constant 32 : index
      %swap3A_9 = tpu.vector_load %arg10[%swap3A_8] {strides = array<i32>} : memref<128xi32, #tpu.memory_space<vmem>>, vector<16xi32>,
      tpu.vector_store %arg10[%swap3A_8], %broadcast_in_dim3A_4 {strides = array<i32>} : memref<128xi32, #tpu.memory_space<vmem>>, vector<16xi32>,
      %swap3A_10 = arith.constant 48 : index
      %swap3A_11 = tpu.vector_load %arg10[%swap3A_10] {strides = array<i32>} : memref<128xi32, #tpu.memory_space<vmem>>, vector<16xi32>,
      tpu.vector_store %arg10[%swap3A_10], %broadcast_in_dim3A_4 {strides = array<i32>} : memref<128xi32, #tpu.memory_space<vmem>>, vector<16xi32>,
      %swap3A_12 = arith.constant 64 : index
      %swap3A_13 = tpu.vector_load %arg10[%swap3A_12] {strides = array<i32>} : memref<128xi32, #tpu.memory_space<vmem>>, vector<16xi32>,
      tpu.vector_store %arg10[%swap3A_12], %broadcast_in_dim3A_4 {strides = array<i32>} : memref<128xi32, #tpu.memory_space<vmem>>, vector<16xi32>,
      %swap3A_14 = arith.constant 80 : index
      %swap3A_15 = tpu.vector_load %arg10[%swap3A_14] {strides = array<i32>} : memref<128xi32, #tpu.memory_space<vmem>>, vector<16xi32>,
      tpu.vector_store %arg10[%swap3A_14], %broadcast_in_dim3A_4 {strides = array<i32>} : memref<128xi32, #tpu.memory_space<vmem>>, vector<16xi32>,
      %swap3A_16 = arith.constant 96 : index
      %swap3A_17 = tpu.vector_load %arg10[%swap3A_16] {strides = array<i32>} : memref<128xi32, #tpu.memory_space<vmem>>, vector<16xi32>,
      tpu.vector_store %arg10[%swap3A_16], %broadcast_in_dim3A_4 {strides = array<i32>} : memref<128xi32, #tpu.memory_space<vmem>>, vector<16xi32>,
      %swap3A_18 = arith.constant 112 : index
      %swap3A_19 = tpu.vector_load %arg10[%swap3A_18] {strides = array<i32>} : memref<128xi32, #tpu.memory_space<vmem>>, vector<16xi32>,
      tpu.vector_store %arg10[%swap3A_18], %broadcast_in_dim3A_4 {strides = array<i32>} : memref<128xi32, #tpu.memory_space<vmem>>, vector<16xi32>,
      %broadcast_in_dim3A_20 = arith.constant 0 : i32
      %broadcast_in_dim3A_21 = vector.broadcast %broadcast_in_dim3A_20 : i32 to vector<16xi32>
      %scan3A = arith.constant 0 : i32
      %scan3A_22 = arith.constant 1250 : i32
      %scan3A_23 = arith.addi %scan3A, %scan3A_22 : i32
      %scan3A_24 = arith.constant 1 : i32
      %scan3A_25 = scf.for %scan3A_410 = %scan3A to %scan3A_23 step %scan3A_24 iter_args(%scan3A_411 = %broadcast_in_dim3A_21) -> (vector<16xi32>)  : i32 {
        %mul3A_412 = arith.constant 16 : i32
        %mul3A_413 = arith.muli %scan3A_410, %mul3A_412 : i32
        %get3A_414 = arith.index_cast %mul3A_413 : i32 to index
        %get3A_415 = tpu.vector_load %arg9[%get3A_414] {strides = array<i32>} : memref<20000xf32, #tpu.memory_space<vmem>>, vector<16xf32>,
        %ge3A_416 = arith.cmpf oge, %get3A_415, %get3A_3 : vector<16xf32>
        %convert_element_type3A_417 = arith.extui %ge3A_416 : vector<16xi1> to vector<16xi32>
        %broadcast_in_dim3A_418 = arith.constant true
        %broadcast_in_dim3A_419 = vector.broadcast %broadcast_in_dim3A_418 : i1 to vector<16xi1>
        %masked_cumsum3A = tpu.scan <sum>, %convert_element_type3A_417 masked %broadcast_in_dim3A_419 : vector<16xi32>, vector<16xi1> -> vector<16xi32>
        %add3A_420 = arith.addi %scan3A_411, %masked_cumsum3A : vector<16xi32>
        %sub3A = arith.constant 1 : i32
        %sub3A_421 = vector.broadcast %sub3A : i32 to vector<16xi32>
        %sub3A_422 = arith.subi %add3A_420, %sub3A_421 : vector<16xi32>
        %lt3A_423 = arith.constant 128 : i32
        %lt3A_424 = vector.broadcast %lt3A_423 : i32 to vector<16xi32>
        %lt3A_425 = arith.cmpi slt, %sub3A_422, %lt3A_424 : vector<16xi32>
        %and3A = arith.andi %ge3A_416, %lt3A_425 : vector<16xi1>
        %jit3A_426 = arith.constant 0 : i32
        %broadcast_in_dim3A_427 = vector.broadcast %jit3A_426 : i32 to vector<16xi32>
        %select_n3A_428 = arith.select %and3A, %sub3A_422, %broadcast_in_dim3A_427 : vector<16xi1>, vector<16xi32>
        %mul3A_429 = arith.constant 16 : i32
        %mul3A_430 = arith.muli %scan3A_410, %mul3A_429 : i32
        %add3A_431 = vector.broadcast %mul3A_430 : i32 to vector<16xi32>
        %add3A_432 = arith.addi %iota3A, %add3A_431 : vector<16xi32>
        tpu.vector_store_idx %arg10[%select_n3A_428], %add3A_432 masked %and3A : memref<128xi32, #tpu.memory_space<vmem>>[vector<16xi32>], vector<16xi32>, vector<16xi1>
        %all_reduce_population_count3A = tpu.all_reduce %ge3A_416 {dim = 0 : i64, kind = #tpu.reduction_kind<sum>} : vector<16xi1> -> vector<16xi32>
        %add3A_433 = arith.addi %scan3A_411, %all_reduce_population_count3A : vector<16xi32>
        scf.yield %add3A_433 : vector<16xi32>
      }
      %scan3A_26 = arith.constant 1250 : i32
      %get3A_27 = arith.constant 0 : index
      %get3A_28 = tpu.vector_load %arg10[%get3A_27] {strides = array<i32>} : memref<128xi32, #tpu.memory_space<vmem>>, vector<16xi32>,
      %ge3A = arith.constant 0 : i32
      %ge3A_29 = vector.broadcast %ge3A : i32 to vector<16xi32>
      %ge3A_30 = arith.cmpi sge, %get3A_28, %ge3A_29 : vector<16xi32>
      %mul3A_31 = arith.constant 20000 : i32
      %mul3A_32 = arith.muli %add3A, %mul3A_31 : i32
      %add3A_33 = vector.broadcast %mul3A_32 : i32 to vector<16xi32>
      %add3A_34 = arith.addi %get3A_28, %add3A_33 : vector<16xi32>
      %jit3A = arith.constant 0 : i32
      %broadcast_in_dim3A_35 = vector.broadcast %jit3A : i32 to vector<16xi32>
      %select_n3A = arith.select %ge3A_30, %add3A_34, %broadcast_in_dim3A_35 : vector<16xi1>, vector<16xi32>
      %swap3A_36 = arith.constant 0 : index
      %swap3A_37 = tpu.vector_load %arg11[%swap3A_36] {strides = array<i32>} : memref<128xi32, #tpu.memory_space<vmem>>, vector<16xi32>,
      tpu.vector_store %arg11[%swap3A_36], %select_n3A {strides = array<i32>} : memref<128xi32, #tpu.memory_space<vmem>>, vector<16xi32>,
      %get3A_38 = arith.constant 16 : index
      %get3A_39 = tpu.vector_load %arg10[%get3A_38] {strides = array<i32>} : memref<128xi32, #tpu.memory_space<vmem>>, vector<16xi32>,
      %ge3A_40 = arith.constant 0 : i32
      %ge3A_41 = vector.broadcast %ge3A_40 : i32 to vector<16xi32>
      %ge3A_42 = arith.cmpi sge, %get3A_39, %ge3A_41 : vector<16xi32>
      %mul3A_43 = arith.constant 20000 : i32
      %mul3A_44 = arith.muli %add3A, %mul3A_43 : i32
      %add3A_45 = vector.broadcast %mul3A_44 : i32 to vector<16xi32>
      %add3A_46 = arith.addi %get3A_39, %add3A_45 : vector<16xi32>
      %jit3A_47 = arith.constant 0 : i32
      %broadcast_in_dim3A_48 = vector.broadcast %jit3A_47 : i32 to vector<16xi32>
      %select_n3A_49 = arith.select %ge3A_42, %add3A_46, %broadcast_in_dim3A_48 : vector<16xi1>, vector<16xi32>
      %swap3A_50 = arith.constant 16 : index
      %swap3A_51 = tpu.vector_load %arg11[%swap3A_50] {strides = array<i32>} : memref<128xi32, #tpu.memory_space<vmem>>, vector<16xi32>,
      tpu.vector_store %arg11[%swap3A_50], %select_n3A_49 {strides = array<i32>} : memref<128xi32, #tpu.memory_space<vmem>>, vector<16xi32>,
      %get3A_52 = arith.constant 32 : index
      %get3A_53 = tpu.vector_load %arg10[%get3A_52] {strides = array<i32>} : memref<128xi32, #tpu.memory_space<vmem>>, vector<16xi32>,
      %ge3A_54 = arith.constant 0 : i32
      %ge3A_55 = vector.broadcast %ge3A_54 : i32 to vector<16xi32>
      %ge3A_56 = arith.cmpi sge, %get3A_53, %ge3A_55 : vector<16xi32>
      %mul3A_57 = arith.constant 20000 : i32
      %mul3A_58 = arith.muli %add3A, %mul3A_57 : i32
      %add3A_59 = vector.broadcast %mul3A_58 : i32 to vector<16xi32>
      %add3A_60 = arith.addi %get3A_53, %add3A_59 : vector<16xi32>
      %jit3A_61 = arith.constant 0 : i32
      %broadcast_in_dim3A_62 = vector.broadcast %jit3A_61 : i32 to vector<16xi32>
      %select_n3A_63 = arith.select %ge3A_56, %add3A_60, %broadcast_in_dim3A_62 : vector<16xi1>, vector<16xi32>
      %swap3A_64 = arith.constant 32 : index
      %swap3A_65 = tpu.vector_load %arg11[%swap3A_64] {strides = array<i32>} : memref<128xi32, #tpu.memory_space<vmem>>, vector<16xi32>,
      tpu.vector_store %arg11[%swap3A_64], %select_n3A_63 {strides = array<i32>} : memref<128xi32, #tpu.memory_space<vmem>>, vector<16xi32>,
      %get3A_66 = arith.constant 48 : index
      %get3A_67 = tpu.vector_load %arg10[%get3A_66] {strides = array<i32>} : memref<128xi32, #tpu.memory_space<vmem>>, vector<16xi32>,
      %ge3A_68 = arith.constant 0 : i32
      %ge3A_69 = vector.broadcast %ge3A_68 : i32 to vector<16xi32>
      %ge3A_70 = arith.cmpi sge, %get3A_67, %ge3A_69 : vector<16xi32>
      %mul3A_71 = arith.constant 20000 : i32
      %mul3A_72 = arith.muli %add3A, %mul3A_71 : i32
      %add3A_73 = vector.broadcast %mul3A_72 : i32 to vector<16xi32>
      %add3A_74 = arith.addi %get3A_67, %add3A_73 : vector<16xi32>
      %jit3A_75 = arith.constant 0 : i32
      %broadcast_in_dim3A_76 = vector.broadcast %jit3A_75 : i32 to vector<16xi32>
      %select_n3A_77 = arith.select %ge3A_70, %add3A_74, %broadcast_in_dim3A_76 : vector<16xi1>, vector<16xi32>
      %swap3A_78 = arith.constant 48 : index
      %swap3A_79 = tpu.vector_load %arg11[%swap3A_78] {strides = array<i32>} : memref<128xi32, #tpu.memory_space<vmem>>, vector<16xi32>,
      tpu.vector_store %arg11[%swap3A_78], %select_n3A_77 {strides = array<i32>} : memref<128xi32, #tpu.memory_space<vmem>>, vector<16xi32>,
      %get3A_80 = arith.constant 64 : index
      %get3A_81 = tpu.vector_load %arg10[%get3A_80] {strides = array<i32>} : memref<128xi32, #tpu.memory_space<vmem>>, vector<16xi32>,
      %ge3A_82 = arith.constant 0 : i32
      %ge3A_83 = vector.broadcast %ge3A_82 : i32 to vector<16xi32>
      %ge3A_84 = arith.cmpi sge, %get3A_81, %ge3A_83 : vector<16xi32>
      %mul3A_85 = arith.constant 20000 : i32
      %mul3A_86 = arith.muli %add3A, %mul3A_85 : i32
      %add3A_87 = vector.broadcast %mul3A_86 : i32 to vector<16xi32>
      %add3A_88 = arith.addi %get3A_81, %add3A_87 : vector<16xi32>
      %jit3A_89 = arith.constant 0 : i32
      %broadcast_in_dim3A_90 = vector.broadcast %jit3A_89 : i32 to vector<16xi32>
      %select_n3A_91 = arith.select %ge3A_84, %add3A_88, %broadcast_in_dim3A_90 : vector<16xi1>, vector<16xi32>
      %swap3A_92 = arith.constant 64 : index
      %swap3A_93 = tpu.vector_load %arg11[%swap3A_92] {strides = array<i32>} : memref<128xi32, #tpu.memory_space<vmem>>, vector<16xi32>,
      tpu.vector_store %arg11[%swap3A_92], %select_n3A_91 {strides = array<i32>} : memref<128xi32, #tpu.memory_space<vmem>>, vector<16xi32>,
      %get3A_94 = arith.constant 80 : index
      %get3A_95 = tpu.vector_load %arg10[%get3A_94] {strides = array<i32>} : memref<128xi32, #tpu.memory_space<vmem>>, vector<16xi32>,
      %ge3A_96 = arith.constant 0 : i32
      %ge3A_97 = vector.broadcast %ge3A_96 : i32 to vector<16xi32>
      %ge3A_98 = arith.cmpi sge, %get3A_95, %ge3A_97 : vector<16xi32>
      %mul3A_99 = arith.constant 20000 : i32
      %mul3A_100 = arith.muli %add3A, %mul3A_99 : i32
      %add3A_101 = vector.broadcast %mul3A_100 : i32 to vector<16xi32>
      %add3A_102 = arith.addi %get3A_95, %add3A_101 : vector<16xi32>
      %jit3A_103 = arith.constant 0 : i32
      %broadcast_in_dim3A_104 = vector.broadcast %jit3A_103 : i32 to vector<16xi32>
      %select_n3A_105 = arith.select %ge3A_98, %add3A_102, %broadcast_in_dim3A_104 : vector<16xi1>, vector<16xi32>
      %swap3A_106 = arith.constant 80 : index
      %swap3A_107 = tpu.vector_load %arg11[%swap3A_106] {strides = array<i32>} : memref<128xi32, #tpu.memory_space<vmem>>, vector<16xi32>,
      tpu.vector_store %arg11[%swap3A_106], %select_n3A_105 {strides = array<i32>} : memref<128xi32, #tpu.memory_space<vmem>>, vector<16xi32>,
      %get3A_108 = arith.constant 96 : index
      %get3A_109 = tpu.vector_load %arg10[%get3A_108] {strides = array<i32>} : memref<128xi32, #tpu.memory_space<vmem>>, vector<16xi32>,
      %ge3A_110 = arith.constant 0 : i32
      %ge3A_111 = vector.broadcast %ge3A_110 : i32 to vector<16xi32>
      %ge3A_112 = arith.cmpi sge, %get3A_109, %ge3A_111 : vector<16xi32>
      %mul3A_113 = arith.constant 20000 : i32
      %mul3A_114 = arith.muli %add3A, %mul3A_113 : i32
      %add3A_115 = vector.broadcast %mul3A_114 : i32 to vector<16xi32>
      %add3A_116 = arith.addi %get3A_109, %add3A_115 : vector<16xi32>
      %jit3A_117 = arith.constant 0 : i32
      %broadcast_in_dim3A_118 = vector.broadcast %jit3A_117 : i32 to vector<16xi32>
      %select_n3A_119 = arith.select %ge3A_112, %add3A_116, %broadcast_in_dim3A_118 : vector<16xi1>, vector<16xi32>
      %swap3A_120 = arith.constant 96 : index
      %swap3A_121 = tpu.vector_load %arg11[%swap3A_120] {strides = array<i32>} : memref<128xi32, #tpu.memory_space<vmem>>, vector<16xi32>,
      tpu.vector_store %arg11[%swap3A_120], %select_n3A_119 {strides = array<i32>} : memref<128xi32, #tpu.memory_space<vmem>>, vector<16xi32>,
      %get3A_122 = arith.constant 112 : index
      %get3A_123 = tpu.vector_load %arg10[%get3A_122] {strides = array<i32>} : memref<128xi32, #tpu.memory_space<vmem>>, vector<16xi32>,
      %ge3A_124 = arith.constant 0 : i32
      %ge3A_125 = vector.broadcast %ge3A_124 : i32 to vector<16xi32>
      %ge3A_126 = arith.cmpi sge, %get3A_123, %ge3A_125 : vector<16xi32>
      %mul3A_127 = arith.constant 20000 : i32
      %mul3A_128 = arith.muli %add3A, %mul3A_127 : i32
      %add3A_129 = vector.broadcast %mul3A_128 : i32 to vector<16xi32>
      %add3A_130 = arith.addi %get3A_123, %add3A_129 : vector<16xi32>
      %jit3A_131 = arith.constant 0 : i32
      %broadcast_in_dim3A_132 = vector.broadcast %jit3A_131 : i32 to vector<16xi32>
      %select_n3A_133 = arith.select %ge3A_126, %add3A_130, %broadcast_in_dim3A_132 : vector<16xi1>, vector<16xi32>
      %swap3A_134 = arith.constant 112 : index
      %swap3A_135 = tpu.vector_load %arg11[%swap3A_134] {strides = array<i32>} : memref<128xi32, #tpu.memory_space<vmem>>, vector<16xi32>,
      tpu.vector_store %arg11[%swap3A_134], %select_n3A_133 {strides = array<i32>} : memref<128xi32, #tpu.memory_space<vmem>>, vector<16xi32>,
      %dma_start3A = arith.constant 0 : i32
      %dma_start3A_136 = arith.constant 0 : i32
      %dma_start3A_137 = tpu.memref_slice %arg4[%dma_start3A, %dma_start3A_136] : memref<160000x96xf32, #tpu.memory_space<hbm>> -> memref<160000x96xf32, #tpu.memory_space<hbm>>
      tpu.enqueue_indirect_dma source(%dma_start3A_137 : memref<160000x96xf32, #tpu.memory_space<hbm>>) target(%arg12 : memref<128x96xf32, #tpu.memory_space<vmem>>) offsets(%arg11 : memref<128xi32, #tpu.memory_space<vmem>>) semaphore(%arg17 : memref<!tpu.dma_semaphore, #tpu.memory_space<semaphore_mem>>)
      %dma_wait3A = arith.constant 0 : i32
      %dma_wait3A_138 = arith.constant 0 : i32
      %dma_wait3A_139 = tpu.memref_slice %arg4[%dma_wait3A, %dma_wait3A_138] : memref<160000x96xf32, #tpu.memory_space<hbm>> -> memref<160000x96xf32, #tpu.memory_space<hbm>>
      tpu.wait_indirect_dma semaphore(%arg17 : memref<!tpu.dma_semaphore, #tpu.memory_space<semaphore_mem>>) src(%dma_wait3A_139 : memref<160000x96xf32, #tpu.memory_space<hbm>>) dst(%arg12 : memref<128x96xf32, #tpu.memory_space<vmem>>)
      %dma_start3A_140 = arith.constant 0 : i32
      %dma_start3A_141 = arith.constant 0 : i32
      %dma_start3A_142 = tpu.memref_slice %arg5[%dma_start3A_140, %dma_start3A_141] : memref<160000x16xf32, #tpu.memory_space<hbm>> -> memref<160000x16xf32, #tpu.memory_space<hbm>>
      tpu.enqueue_indirect_dma source(%dma_start3A_142 : memref<160000x16xf32, #tpu.memory_space<hbm>>) target(%arg13 : memref<128x16xf32, #tpu.memory_space<vmem>>) offsets(%arg11 : memref<128xi32, #tpu.memory_space<vmem>>) semaphore(%arg17 : memref<!tpu.dma_semaphore, #tpu.memory_space<semaphore_mem>>)
      %dma_wait3A_143 = arith.constant 0 : i32
      %dma_wait3A_144 = arith.constant 0 : i32
      %dma_wait3A_145 = tpu.memref_slice %arg5[%dma_wait3A_143, %dma_wait3A_144] : memref<160000x16xf32, #tpu.memory_space<hbm>> -> memref<160000x16xf32, #tpu.memory_space<hbm>>
      tpu.wait_indirect_dma semaphore(%arg17 : memref<!tpu.dma_semaphore, #tpu.memory_space<semaphore_mem>>) src(%dma_wait3A_145 : memref<160000x16xf32, #tpu.memory_space<hbm>>) dst(%arg13 : memref<128x16xf32, #tpu.memory_space<vmem>>)
      %broadcast_in_dim3A_146 = arith.constant -1.000000e+00 : f32
      %broadcast_in_dim3A_147 = vector.broadcast %broadcast_in_dim3A_146 : f32 to vector<16xf32>
      %swap3A_148 = arith.constant 0 : index
      %swap3A_149 = tpu.vector_load %arg15[%swap3A_148] {strides = array<i32>} : memref<512xf32, #tpu.memory_space<vmem>>, vector<16xf32>,
      tpu.vector_store %arg15[%swap3A_148], %broadcast_in_dim3A_147 {strides = array<i32>} : memref<512xf32, #tpu.memory_space<vmem>>, vector<16xf32>,
      %broadcast_in_dim3A_150 = arith.constant 1073741824 : i32
      %broadcast_in_dim3A_151 = vector.broadcast %broadcast_in_dim3A_150 : i32 to vector<16xi32>
      %swap3A_152 = arith.constant 0 : index
      %swap3A_153 = tpu.vector_load %arg16[%swap3A_152] {strides = array<i32>} : memref<512xi32, #tpu.memory_space<vmem>>, vector<16xi32>,
      tpu.vector_store %arg16[%swap3A_152], %broadcast_in_dim3A_151 {strides = array<i32>} : memref<512xi32, #tpu.memory_space<vmem>>, vector<16xi32>,
      %broadcast_in_dim3A_154 = arith.constant -1.000000e+00 : f32
      %broadcast_in_dim3A_155 = vector.broadcast %broadcast_in_dim3A_154 : f32 to vector<16xf32>
      %swap3A_156 = arith.constant 16 : index
      %swap3A_157 = tpu.vector_load %arg15[%swap3A_156] {strides = array<i32>} : memref<512xf32, #tpu.memory_space<vmem>>, vector<16xf32>,
      tpu.vector_store %arg15[%swap3A_156], %broadcast_in_dim3A_155 {strides = array<i32>} : memref<512xf32, #tpu.memory_space<vmem>>, vector<16xf32>,
      %broadcast_in_dim3A_158 = arith.constant 1073741824 : i32
      %broadcast_in_dim3A_159 = vector.broadcast %broadcast_in_dim3A_158 : i32 to vector<16xi32>
      %swap3A_160 = arith.constant 16 : index
      %swap3A_161 = tpu.vector_load %arg16[%swap3A_160] {strides = array<i32>} : memref<512xi32, #tpu.memory_space<vmem>>, vector<16xi32>,
      tpu.vector_store %arg16[%swap3A_160], %broadcast_in_dim3A_159 {strides = array<i32>} : memref<512xi32, #tpu.memory_space<vmem>>, vector<16xi32>,
      %broadcast_in_dim3A_162 = arith.constant -1.000000e+00 : f32
      %broadcast_in_dim3A_163 = vector.broadcast %broadcast_in_dim3A_162 : f32 to vector<16xf32>
      %swap3A_164 = arith.constant 32 : index
      %swap3A_165 = tpu.vector_load %arg15[%swap3A_164] {strides = array<i32>} : memref<512xf32, #tpu.memory_space<vmem>>, vector<16xf32>,
      tpu.vector_store %arg15[%swap3A_164], %broadcast_in_dim3A_163 {strides = array<i32>} : memref<512xf32, #tpu.memory_space<vmem>>, vector<16xf32>,
      %broadcast_in_dim3A_166 = arith.constant 1073741824 : i32
      %broadcast_in_dim3A_167 = vector.broadcast %broadcast_in_dim3A_166 : i32 to vector<16xi32>
      %swap3A_168 = arith.constant 32 : index
      %swap3A_169 = tpu.vector_load %arg16[%swap3A_168] {strides = array<i32>} : memref<512xi32, #tpu.memory_space<vmem>>, vector<16xi32>,
      tpu.vector_store %arg16[%swap3A_168], %broadcast_in_dim3A_167 {strides = array<i32>} : memref<512xi32, #tpu.memory_space<vmem>>, vector<16xi32>,
      %broadcast_in_dim3A_170 = arith.constant -1.000000e+00 : f32
      %broadcast_in_dim3A_171 = vector.broadcast %broadcast_in_dim3A_170 : f32 to vector<16xf32>
      %swap3A_172 = arith.constant 48 : index
      %swap3A_173 = tpu.vector_load %arg15[%swap3A_172] {strides = array<i32>} : memref<512xf32, #tpu.memory_space<vmem>>, vector<16xf32>,
      tpu.vector_store %arg15[%swap3A_172], %broadcast_in_dim3A_171 {strides = array<i32>} : memref<512xf32, #tpu.memory_space<vmem>>, vector<16xf32>,
      %broadcast_in_dim3A_174 = arith.constant 1073741824 : i32
      %broadcast_in_dim3A_175 = vector.broadcast %broadcast_in_dim3A_174 : i32 to vector<16xi32>
      %swap3A_176 = arith.constant 48 : index
      %swap3A_177 = tpu.vector_load %arg16[%swap3A_176] {strides = array<i32>} : memref<512xi32, #tpu.memory_space<vmem>>, vector<16xi32>,
      tpu.vector_store %arg16[%swap3A_176], %broadcast_in_dim3A_175 {strides = array<i32>} : memref<512xi32, #tpu.memory_space<vmem>>, vector<16xi32>,
      %broadcast_in_dim3A_178 = arith.constant -1.000000e+00 : f32
      %broadcast_in_dim3A_179 = vector.broadcast %broadcast_in_dim3A_178 : f32 to vector<16xf32>
      %swap3A_180 = arith.constant 64 : index
      %swap3A_181 = tpu.vector_load %arg15[%swap3A_180] {strides = array<i32>} : memref<512xf32, #tpu.memory_space<vmem>>, vector<16xf32>,
      tpu.vector_store %arg15[%swap3A_180], %broadcast_in_dim3A_179 {strides = array<i32>} : memref<512xf32, #tpu.memory_space<vmem>>, vector<16xf32>,
      %broadcast_in_dim3A_182 = arith.constant 1073741824 : i32
      %broadcast_in_dim3A_183 = vector.broadcast %broadcast_in_dim3A_182 : i32 to vector<16xi32>
      %swap3A_184 = arith.constant 64 : index
      %swap3A_185 = tpu.vector_load %arg16[%swap3A_184] {strides = array<i32>} : memref<512xi32, #tpu.memory_space<vmem>>, vector<16xi32>,
      tpu.vector_store %arg16[%swap3A_184], %broadcast_in_dim3A_183 {strides = array<i32>} : memref<512xi32, #tpu.memory_space<vmem>>, vector<16xi32>,
      %broadcast_in_dim3A_186 = arith.constant -1.000000e+00 : f32
      %broadcast_in_dim3A_187 = vector.broadcast %broadcast_in_dim3A_186 : f32 to vector<16xf32>
      %swap3A_188 = arith.constant 80 : index
      %swap3A_189 = tpu.vector_load %arg15[%swap3A_188] {strides = array<i32>} : memref<512xf32, #tpu.memory_space<vmem>>, vector<16xf32>,
      tpu.vector_store %arg15[%swap3A_188], %broadcast_in_dim3A_187 {strides = array<i32>} : memref<512xf32, #tpu.memory_space<vmem>>, vector<16xf32>,
      %broadcast_in_dim3A_190 = arith.constant 1073741824 : i32
      %broadcast_in_dim3A_191 = vector.broadcast %broadcast_in_dim3A_190 : i32 to vector<16xi32>
      %swap3A_192 = arith.constant 80 : index
      %swap3A_193 = tpu.vector_load %arg16[%swap3A_192] {strides = array<i32>} : memref<512xi32, #tpu.memory_space<vmem>>, vector<16xi32>,
      tpu.vector_store %arg16[%swap3A_192], %broadcast_in_dim3A_191 {strides = array<i32>} : memref<512xi32, #tpu.memory_space<vmem>>, vector<16xi32>,
      %broadcast_in_dim3A_194 = arith.constant -1.000000e+00 : f32
      %broadcast_in_dim3A_195 = vector.broadcast %broadcast_in_dim3A_194 : f32 to vector<16xf32>
      %swap3A_196 = arith.constant 96 : index
      %swap3A_197 = tpu.vector_load %arg15[%swap3A_196] {strides = array<i32>} : memref<512xf32, #tpu.memory_space<vmem>>, vector<16xf32>,
      tpu.vector_store %arg15[%swap3A_196], %broadcast_in_dim3A_195 {strides = array<i32>} : memref<512xf32, #tpu.memory_space<vmem>>, vector<16xf32>,
      %broadcast_in_dim3A_198 = arith.constant 1073741824 : i32
      %broadcast_in_dim3A_199 = vector.broadcast %broadcast_in_dim3A_198 : i32 to vector<16xi32>
      %swap3A_200 = arith.constant 96 : index
      %swap3A_201 = tpu.vector_load %arg16[%swap3A_200] {strides = array<i32>} : memref<512xi32, #tpu.memory_space<vmem>>, vector<16xi32>,
      tpu.vector_store %arg16[%swap3A_200], %broadcast_in_dim3A_199 {strides = array<i32>} : memref<512xi32, #tpu.memory_space<vmem>>, vector<16xi32>,
      %broadcast_in_dim3A_202 = arith.constant -1.000000e+00 : f32
      %broadcast_in_dim3A_203 = vector.broadcast %broadcast_in_dim3A_202 : f32 to vector<16xf32>
      %swap3A_204 = arith.constant 112 : index
      %swap3A_205 = tpu.vector_load %arg15[%swap3A_204] {strides = array<i32>} : memref<512xf32, #tpu.memory_space<vmem>>, vector<16xf32>,
      tpu.vector_store %arg15[%swap3A_204], %broadcast_in_dim3A_203 {strides = array<i32>} : memref<512xf32, #tpu.memory_space<vmem>>, vector<16xf32>,
      %broadcast_in_dim3A_206 = arith.constant 1073741824 : i32
      %broadcast_in_dim3A_207 = vector.broadcast %broadcast_in_dim3A_206 : i32 to vector<16xi32>
      %swap3A_208 = arith.constant 112 : index
      %swap3A_209 = tpu.vector_load %arg16[%swap3A_208] {strides = array<i32>} : memref<512xi32, #tpu.memory_space<vmem>>, vector<16xi32>,
      tpu.vector_store %arg16[%swap3A_208], %broadcast_in_dim3A_207 {strides = array<i32>} : memref<512xi32, #tpu.memory_space<vmem>>, vector<16xi32>,
      %broadcast_in_dim3A_210 = arith.constant -1.000000e+00 : f32
      %broadcast_in_dim3A_211 = vector.broadcast %broadcast_in_dim3A_210 : f32 to vector<16xf32>
      %swap3A_212 = arith.constant 128 : index
      %swap3A_213 = tpu.vector_load %arg15[%swap3A_212] {strides = array<i32>} : memref<512xf32, #tpu.memory_space<vmem>>, vector<16xf32>,
      tpu.vector_store %arg15[%swap3A_212], %broadcast_in_dim3A_211 {strides = array<i32>} : memref<512xf32, #tpu.memory_space<vmem>>, vector<16xf32>,
      %broadcast_in_dim3A_214 = arith.constant 1073741824 : i32
      %broadcast_in_dim3A_215 = vector.broadcast %broadcast_in_dim3A_214 : i32 to vector<16xi32>
      %swap3A_216 = arith.constant 128 : index
      %swap3A_217 = tpu.vector_load %arg16[%swap3A_216] {strides = array<i32>} : memref<512xi32, #tpu.memory_space<vmem>>, vector<16xi32>,
      tpu.vector_store %arg16[%swap3A_216], %broadcast_in_dim3A_215 {strides = array<i32>} : memref<512xi32, #tpu.memory_space<vmem>>, vector<16xi32>,
      %broadcast_in_dim3A_218 = arith.constant -1.000000e+00 : f32
      %broadcast_in_dim3A_219 = vector.broadcast %broadcast_in_dim3A_218 : f32 to vector<16xf32>
      %swap3A_220 = arith.constant 144 : index
      %swap3A_221 = tpu.vector_load %arg15[%swap3A_220] {strides = array<i32>} : memref<512xf32, #tpu.memory_space<vmem>>, vector<16xf32>,
      tpu.vector_store %arg15[%swap3A_220], %broadcast_in_dim3A_219 {strides = array<i32>} : memref<512xf32, #tpu.memory_space<vmem>>, vector<16xf32>,
      %broadcast_in_dim3A_222 = arith.constant 1073741824 : i32
      %broadcast_in_dim3A_223 = vector.broadcast %broadcast_in_dim3A_222 : i32 to vector<16xi32>
      %swap3A_224 = arith.constant 144 : index
      %swap3A_225 = tpu.vector_load %arg16[%swap3A_224] {strides = array<i32>} : memref<512xi32, #tpu.memory_space<vmem>>, vector<16xi32>,
      tpu.vector_store %arg16[%swap3A_224], %broadcast_in_dim3A_223 {strides = array<i32>} : memref<512xi32, #tpu.memory_space<vmem>>, vector<16xi32>,
      %broadcast_in_dim3A_226 = arith.constant -1.000000e+00 : f32
      %broadcast_in_dim3A_227 = vector.broadcast %broadcast_in_dim3A_226 : f32 to vector<16xf32>
      %swap3A_228 = arith.constant 160 : index
      %swap3A_229 = tpu.vector_load %arg15[%swap3A_228] {strides = array<i32>} : memref<512xf32, #tpu.memory_space<vmem>>, vector<16xf32>,
      tpu.vector_store %arg15[%swap3A_228], %broadcast_in_dim3A_227 {strides = array<i32>} : memref<512xf32, #tpu.memory_space<vmem>>, vector<16xf32>,
      %broadcast_in_dim3A_230 = arith.constant 1073741824 : i32
      %broadcast_in_dim3A_231 = vector.broadcast %broadcast_in_dim3A_230 : i32 to vector<16xi32>
      %swap3A_232 = arith.constant 160 : index
      %swap3A_233 = tpu.vector_load %arg16[%swap3A_232] {strides = array<i32>} : memref<512xi32, #tpu.memory_space<vmem>>, vector<16xi32>,
      tpu.vector_store %arg16[%swap3A_232], %broadcast_in_dim3A_231 {strides = array<i32>} : memref<512xi32, #tpu.memory_space<vmem>>, vector<16xi32>,
      %broadcast_in_dim3A_234 = arith.constant -1.000000e+00 : f32
      %broadcast_in_dim3A_235 = vector.broadcast %broadcast_in_dim3A_234 : f32 to vector<16xf32>
      %swap3A_236 = arith.constant 176 : index
      %swap3A_237 = tpu.vector_load %arg15[%swap3A_236] {strides = array<i32>} : memref<512xf32, #tpu.memory_space<vmem>>, vector<16xf32>,
      tpu.vector_store %arg15[%swap3A_236], %broadcast_in_dim3A_235 {strides = array<i32>} : memref<512xf32, #tpu.memory_space<vmem>>, vector<16xf32>,
      %broadcast_in_dim3A_238 = arith.constant 1073741824 : i32
      %broadcast_in_dim3A_239 = vector.broadcast %broadcast_in_dim3A_238 : i32 to vector<16xi32>
      %swap3A_240 = arith.constant 176 : index
      %swap3A_241 = tpu.vector_load %arg16[%swap3A_240] {strides = array<i32>} : memref<512xi32, #tpu.memory_space<vmem>>, vector<16xi32>,
      tpu.vector_store %arg16[%swap3A_240], %broadcast_in_dim3A_239 {strides = array<i32>} : memref<512xi32, #tpu.memory_space<vmem>>, vector<16xi32>,
      %broadcast_in_dim3A_242 = arith.constant -1.000000e+00 : f32
      %broadcast_in_dim3A_243 = vector.broadcast %broadcast_in_dim3A_242 : f32 to vector<16xf32>
      %swap3A_244 = arith.constant 192 : index
      %swap3A_245 = tpu.vector_load %arg15[%swap3A_244] {strides = array<i32>} : memref<512xf32, #tpu.memory_space<vmem>>, vector<16xf32>,
      tpu.vector_store %arg15[%swap3A_244], %broadcast_in_dim3A_243 {strides = array<i32>} : memref<512xf32, #tpu.memory_space<vmem>>, vector<16xf32>,
      %broadcast_in_dim3A_246 = arith.constant 1073741824 : i32
      %broadcast_in_dim3A_247 = vector.broadcast %broadcast_in_dim3A_246 : i32 to vector<16xi32>
      %swap3A_248 = arith.constant 192 : index
      %swap3A_249 = tpu.vector_load %arg16[%swap3A_248] {strides = array<i32>} : memref<512xi32, #tpu.memory_space<vmem>>, vector<16xi32>,
      tpu.vector_store %arg16[%swap3A_248], %broadcast_in_dim3A_247 {strides = array<i32>} : memref<512xi32, #tpu.memory_space<vmem>>, vector<16xi32>,
      %broadcast_in_dim3A_250 = arith.constant -1.000000e+00 : f32
      %broadcast_in_dim3A_251 = vector.broadcast %broadcast_in_dim3A_250 : f32 to vector<16xf32>
      %swap3A_252 = arith.constant 208 : index
      %swap3A_253 = tpu.vector_load %arg15[%swap3A_252] {strides = array<i32>} : memref<512xf32, #tpu.memory_space<vmem>>, vector<16xf32>,
      tpu.vector_store %arg15[%swap3A_252], %broadcast_in_dim3A_251 {strides = array<i32>} : memref<512xf32, #tpu.memory_space<vmem>>, vector<16xf32>,
      %broadcast_in_dim3A_254 = arith.constant 1073741824 : i32
      %broadcast_in_dim3A_255 = vector.broadcast %broadcast_in_dim3A_254 : i32 to vector<16xi32>
      %swap3A_256 = arith.constant 208 : index
      %swap3A_257 = tpu.vector_load %arg16[%swap3A_256] {strides = array<i32>} : memref<512xi32, #tpu.memory_space<vmem>>, vector<16xi32>,
      tpu.vector_store %arg16[%swap3A_256], %broadcast_in_dim3A_255 {strides = array<i32>} : memref<512xi32, #tpu.memory_space<vmem>>, vector<16xi32>,
      %broadcast_in_dim3A_258 = arith.constant -1.000000e+00 : f32
      %broadcast_in_dim3A_259 = vector.broadcast %broadcast_in_dim3A_258 : f32 to vector<16xf32>
      %swap3A_260 = arith.constant 224 : index
      %swap3A_261 = tpu.vector_load %arg15[%swap3A_260] {strides = array<i32>} : memref<512xf32, #tpu.memory_space<vmem>>, vector<16xf32>,
      tpu.vector_store %arg15[%swap3A_260], %broadcast_in_dim3A_259 {strides = array<i32>} : memref<512xf32, #tpu.memory_space<vmem>>, vector<16xf32>,
      %broadcast_in_dim3A_262 = arith.constant 1073741824 : i32
      %broadcast_in_dim3A_263 = vector.broadcast %broadcast_in_dim3A_262 : i32 to vector<16xi32>
      %swap3A_264 = arith.constant 224 : index
      %swap3A_265 = tpu.vector_load %arg16[%swap3A_264] {strides = array<i32>} : memref<512xi32, #tpu.memory_space<vmem>>, vector<16xi32>,
      tpu.vector_store %arg16[%swap3A_264], %broadcast_in_dim3A_263 {strides = array<i32>} : memref<512xi32, #tpu.memory_space<vmem>>, vector<16xi32>,
      %broadcast_in_dim3A_266 = arith.constant -1.000000e+00 : f32
      %broadcast_in_dim3A_267 = vector.broadcast %broadcast_in_dim3A_266 : f32 to vector<16xf32>
      %swap3A_268 = arith.constant 240 : index
      %swap3A_269 = tpu.vector_load %arg15[%swap3A_268] {strides = array<i32>} : memref<512xf32, #tpu.memory_space<vmem>>, vector<16xf32>,
      tpu.vector_store %arg15[%swap3A_268], %broadcast_in_dim3A_267 {strides = array<i32>} : memref<512xf32, #tpu.memory_space<vmem>>, vector<16xf32>,
      %broadcast_in_dim3A_270 = arith.constant 1073741824 : i32
      %broadcast_in_dim3A_271 = vector.broadcast %broadcast_in_dim3A_270 : i32 to vector<16xi32>
      %swap3A_272 = arith.constant 240 : index
      %swap3A_273 = tpu.vector_load %arg16[%swap3A_272] {strides = array<i32>} : memref<512xi32, #tpu.memory_space<vmem>>, vector<16xi32>,
      tpu.vector_store %arg16[%swap3A_272], %broadcast_in_dim3A_271 {strides = array<i32>} : memref<512xi32, #tpu.memory_space<vmem>>, vector<16xi32>,
      %broadcast_in_dim3A_274 = arith.constant -1.000000e+00 : f32
      %broadcast_in_dim3A_275 = vector.broadcast %broadcast_in_dim3A_274 : f32 to vector<16xf32>
      %swap3A_276 = arith.constant 256 : index
      %swap3A_277 = tpu.vector_load %arg15[%swap3A_276] {strides = array<i32>} : memref<512xf32, #tpu.memory_space<vmem>>, vector<16xf32>,
      tpu.vector_store %arg15[%swap3A_276], %broadcast_in_dim3A_275 {strides = array<i32>} : memref<512xf32, #tpu.memory_space<vmem>>, vector<16xf32>,
      %broadcast_in_dim3A_278 = arith.constant 1073741824 : i32
      %broadcast_in_dim3A_279 = vector.broadcast %broadcast_in_dim3A_278 : i32 to vector<16xi32>
      %swap3A_280 = arith.constant 256 : index
      %swap3A_281 = tpu.vector_load %arg16[%swap3A_280] {strides = array<i32>} : memref<512xi32, #tpu.memory_space<vmem>>, vector<16xi32>,
      tpu.vector_store %arg16[%swap3A_280], %broadcast_in_dim3A_279 {strides = array<i32>} : memref<512xi32, #tpu.memory_space<vmem>>, vector<16xi32>,
      %broadcast_in_dim3A_282 = arith.constant -1.000000e+00 : f32
      %broadcast_in_dim3A_283 = vector.broadcast %broadcast_in_dim3A_282 : f32 to vector<16xf32>
      %swap3A_284 = arith.constant 272 : index
      %swap3A_285 = tpu.vector_load %arg15[%swap3A_284] {strides = array<i32>} : memref<512xf32, #tpu.memory_space<vmem>>, vector<16xf32>,
      tpu.vector_store %arg15[%swap3A_284], %broadcast_in_dim3A_283 {strides = array<i32>} : memref<512xf32, #tpu.memory_space<vmem>>, vector<16xf32>,
      %broadcast_in_dim3A_286 = arith.constant 1073741824 : i32
      %broadcast_in_dim3A_287 = vector.broadcast %broadcast_in_dim3A_286 : i32 to vector<16xi32>
      %swap3A_288 = arith.constant 272 : index
      %swap3A_289 = tpu.vector_load %arg16[%swap3A_288] {strides = array<i32>} : memref<512xi32, #tpu.memory_space<vmem>>, vector<16xi32>,
      tpu.vector_store %arg16[%swap3A_288], %broadcast_in_dim3A_287 {strides = array<i32>} : memref<512xi32, #tpu.memory_space<vmem>>, vector<16xi32>,
      %broadcast_in_dim3A_290 = arith.constant -1.000000e+00 : f32
      %broadcast_in_dim3A_291 = vector.broadcast %broadcast_in_dim3A_290 : f32 to vector<16xf32>
      %swap3A_292 = arith.constant 288 : index
      %swap3A_293 = tpu.vector_load %arg15[%swap3A_292] {strides = array<i32>} : memref<512xf32, #tpu.memory_space<vmem>>, vector<16xf32>,
      tpu.vector_store %arg15[%swap3A_292], %broadcast_in_dim3A_291 {strides = array<i32>} : memref<512xf32, #tpu.memory_space<vmem>>, vector<16xf32>,
      %broadcast_in_dim3A_294 = arith.constant 1073741824 : i32
      %broadcast_in_dim3A_295 = vector.broadcast %broadcast_in_dim3A_294 : i32 to vector<16xi32>
      %swap3A_296 = arith.constant 288 : index
      %swap3A_297 = tpu.vector_load %arg16[%swap3A_296] {strides = array<i32>} : memref<512xi32, #tpu.memory_space<vmem>>, vector<16xi32>,
      tpu.vector_store %arg16[%swap3A_296], %broadcast_in_dim3A_295 {strides = array<i32>} : memref<512xi32, #tpu.memory_space<vmem>>, vector<16xi32>,
      %broadcast_in_dim3A_298 = arith.constant -1.000000e+00 : f32
      %broadcast_in_dim3A_299 = vector.broadcast %broadcast_in_dim3A_298 : f32 to vector<16xf32>
      %swap3A_300 = arith.constant 304 : index
      %swap3A_301 = tpu.vector_load %arg15[%swap3A_300] {strides = array<i32>} : memref<512xf32, #tpu.memory_space<vmem>>, vector<16xf32>,
      tpu.vector_store %arg15[%swap3A_300], %broadcast_in_dim3A_299 {strides = array<i32>} : memref<512xf32, #tpu.memory_space<vmem>>, vector<16xf32>,
      %broadcast_in_dim3A_302 = arith.constant 1073741824 : i32
      %broadcast_in_dim3A_303 = vector.broadcast %broadcast_in_dim3A_302 : i32 to vector<16xi32>
      %swap3A_304 = arith.constant 304 : index
      %swap3A_305 = tpu.vector_load %arg16[%swap3A_304] {strides = array<i32>} : memref<512xi32, #tpu.memory_space<vmem>>, vector<16xi32>,
      tpu.vector_store %arg16[%swap3A_304], %broadcast_in_dim3A_303 {strides = array<i32>} : memref<512xi32, #tpu.memory_space<vmem>>, vector<16xi32>,
      %broadcast_in_dim3A_306 = arith.constant -1.000000e+00 : f32
      %broadcast_in_dim3A_307 = vector.broadcast %broadcast_in_dim3A_306 : f32 to vector<16xf32>
      %swap3A_308 = arith.constant 320 : index
      %swap3A_309 = tpu.vector_load %arg15[%swap3A_308] {strides = array<i32>} : memref<512xf32, #tpu.memory_space<vmem>>, vector<16xf32>,
      tpu.vector_store %arg15[%swap3A_308], %broadcast_in_dim3A_307 {strides = array<i32>} : memref<512xf32, #tpu.memory_space<vmem>>, vector<16xf32>,
      %broadcast_in_dim3A_310 = arith.constant 1073741824 : i32
      %broadcast_in_dim3A_311 = vector.broadcast %broadcast_in_dim3A_310 : i32 to vector<16xi32>
      %swap3A_312 = arith.constant 320 : index
      %swap3A_313 = tpu.vector_load %arg16[%swap3A_312] {strides = array<i32>} : memref<512xi32, #tpu.memory_space<vmem>>, vector<16xi32>,
      tpu.vector_store %arg16[%swap3A_312], %broadcast_in_dim3A_311 {strides = array<i32>} : memref<512xi32, #tpu.memory_space<vmem>>, vector<16xi32>,
      %broadcast_in_dim3A_314 = arith.constant -1.000000e+00 : f32
      %broadcast_in_dim3A_315 = vector.broadcast %broadcast_in_dim3A_314 : f32 to vector<16xf32>
      %swap3A_316 = arith.constant 336 : index
      %swap3A_317 = tpu.vector_load %arg15[%swap3A_316] {strides = array<i32>} : memref<512xf32, #tpu.memory_space<vmem>>, vector<16xf32>,
      tpu.vector_store %arg15[%swap3A_316], %broadcast_in_dim3A_315 {strides = array<i32>} : memref<512xf32, #tpu.memory_space<vmem>>, vector<16xf32>,
      %broadcast_in_dim3A_318 = arith.constant 1073741824 : i32
      %broadcast_in_dim3A_319 = vector.broadcast %broadcast_in_dim3A_318 : i32 to vector<16xi32>
      %swap3A_320 = arith.constant 336 : index
      %swap3A_321 = tpu.vector_load %arg16[%swap3A_320] {strides = array<i32>} : memref<512xi32, #tpu.memory_space<vmem>>, vector<16xi32>,
      tpu.vector_store %arg16[%swap3A_320], %broadcast_in_dim3A_319 {strides = array<i32>} : memref<512xi32, #tpu.memory_space<vmem>>, vector<16xi32>,
      %broadcast_in_dim3A_322 = arith.constant -1.000000e+00 : f32
      %broadcast_in_dim3A_323 = vector.broadcast %broadcast_in_dim3A_322 : f32 to vector<16xf32>
      %swap3A_324 = arith.constant 352 : index
      %swap3A_325 = tpu.vector_load %arg15[%swap3A_324] {strides = array<i32>} : memref<512xf32, #tpu.memory_space<vmem>>, vector<16xf32>,
      tpu.vector_store %arg15[%swap3A_324], %broadcast_in_dim3A_323 {strides = array<i32>} : memref<512xf32, #tpu.memory_space<vmem>>, vector<16xf32>,
      %broadcast_in_dim3A_326 = arith.constant 1073741824 : i32
      %broadcast_in_dim3A_327 = vector.broadcast %broadcast_in_dim3A_326 : i32 to vector<16xi32>
      %swap3A_328 = arith.constant 352 : index
      %swap3A_329 = tpu.vector_load %arg16[%swap3A_328] {strides = array<i32>} : memref<512xi32, #tpu.memory_space<vmem>>, vector<16xi32>,
      tpu.vector_store %arg16[%swap3A_328], %broadcast_in_dim3A_327 {strides = array<i32>} : memref<512xi32, #tpu.memory_space<vmem>>, vector<16xi32>,
      %broadcast_in_dim3A_330 = arith.constant -1.000000e+00 : f32
      %broadcast_in_dim3A_331 = vector.broadcast %broadcast_in_dim3A_330 : f32 to vector<16xf32>
      %swap3A_332 = arith.constant 368 : index
      %swap3A_333 = tpu.vector_load %arg15[%swap3A_332] {strides = array<i32>} : memref<512xf32, #tpu.memory_space<vmem>>, vector<16xf32>,
      tpu.vector_store %arg15[%swap3A_332], %broadcast_in_dim3A_331 {strides = array<i32>} : memref<512xf32, #tpu.memory_space<vmem>>, vector<16xf32>,
      %broadcast_in_dim3A_334 = arith.constant 1073741824 : i32
      %broadcast_in_dim3A_335 = vector.broadcast %broadcast_in_dim3A_334 : i32 to vector<16xi32>
      %swap3A_336 = arith.constant 368 : index
      %swap3A_337 = tpu.vector_load %arg16[%swap3A_336] {strides = array<i32>} : memref<512xi32, #tpu.memory_space<vmem>>, vector<16xi32>,
      tpu.vector_store %arg16[%swap3A_336], %broadcast_in_dim3A_335 {strides = array<i32>} : memref<512xi32, #tpu.memory_space<vmem>>, vector<16xi32>,
      %broadcast_in_dim3A_338 = arith.constant -1.000000e+00 : f32
      %broadcast_in_dim3A_339 = vector.broadcast %broadcast_in_dim3A_338 : f32 to vector<16xf32>
      %swap3A_340 = arith.constant 384 : index
      %swap3A_341 = tpu.vector_load %arg15[%swap3A_340] {strides = array<i32>} : memref<512xf32, #tpu.memory_space<vmem>>, vector<16xf32>,
      tpu.vector_store %arg15[%swap3A_340], %broadcast_in_dim3A_339 {strides = array<i32>} : memref<512xf32, #tpu.memory_space<vmem>>, vector<16xf32>,
      %broadcast_in_dim3A_342 = arith.constant 1073741824 : i32
      %broadcast_in_dim3A_343 = vector.broadcast %broadcast_in_dim3A_342 : i32 to vector<16xi32>
      %swap3A_344 = arith.constant 384 : index
      %swap3A_345 = tpu.vector_load %arg16[%swap3A_344] {strides = array<i32>} : memref<512xi32, #tpu.memory_space<vmem>>, vector<16xi32>,
      tpu.vector_store %arg16[%swap3A_344], %broadcast_in_dim3A_343 {strides = array<i32>} : memref<512xi32, #tpu.memory_space<vmem>>, vector<16xi32>,
      %broadcast_in_dim3A_346 = arith.constant -1.000000e+00 : f32
      %broadcast_in_dim3A_347 = vector.broadcast %broadcast_in_dim3A_346 : f32 to vector<16xf32>
      %swap3A_348 = arith.constant 400 : index
      %swap3A_349 = tpu.vector_load %arg15[%swap3A_348] {strides = array<i32>} : memref<512xf32, #tpu.memory_space<vmem>>, vector<16xf32>,
      tpu.vector_store %arg15[%swap3A_348], %broadcast_in_dim3A_347 {strides = array<i32>} : memref<512xf32, #tpu.memory_space<vmem>>, vector<16xf32>,
      %broadcast_in_dim3A_350 = arith.constant 1073741824 : i32
      %broadcast_in_dim3A_351 = vector.broadcast %broadcast_in_dim3A_350 : i32 to vector<16xi32>
      %swap3A_352 = arith.constant 400 : index
      %swap3A_353 = tpu.vector_load %arg16[%swap3A_352] {strides = array<i32>} : memref<512xi32, #tpu.memory_space<vmem>>, vector<16xi32>,
      tpu.vector_store %arg16[%swap3A_352], %broadcast_in_dim3A_351 {strides = array<i32>} : memref<512xi32, #tpu.memory_space<vmem>>, vector<16xi32>,
      %broadcast_in_dim3A_354 = arith.constant -1.000000e+00 : f32
      %broadcast_in_dim3A_355 = vector.broadcast %broadcast_in_dim3A_354 : f32 to vector<16xf32>
      %swap3A_356 = arith.constant 416 : index
      %swap3A_357 = tpu.vector_load %arg15[%swap3A_356] {strides = array<i32>} : memref<512xf32, #tpu.memory_space<vmem>>, vector<16xf32>,
      tpu.vector_store %arg15[%swap3A_356], %broadcast_in_dim3A_355 {strides = array<i32>} : memref<512xf32, #tpu.memory_space<vmem>>, vector<16xf32>,
      %broadcast_in_dim3A_358 = arith.constant 1073741824 : i32
      %broadcast_in_dim3A_359 = vector.broadcast %broadcast_in_dim3A_358 : i32 to vector<16xi32>
      %swap3A_360 = arith.constant 416 : index
      %swap3A_361 = tpu.vector_load %arg16[%swap3A_360] {strides = array<i32>} : memref<512xi32, #tpu.memory_space<vmem>>, vector<16xi32>,
      tpu.vector_store %arg16[%swap3A_360], %broadcast_in_dim3A_359 {strides = array<i32>} : memref<512xi32, #tpu.memory_space<vmem>>, vector<16xi32>,
      %broadcast_in_dim3A_362 = arith.constant -1.000000e+00 : f32
      %broadcast_in_dim3A_363 = vector.broadcast %broadcast_in_dim3A_362 : f32 to vector<16xf32>
      %swap3A_364 = arith.constant 432 : index
      %swap3A_365 = tpu.vector_load %arg15[%swap3A_364] {strides = array<i32>} : memref<512xf32, #tpu.memory_space<vmem>>, vector<16xf32>,
      tpu.vector_store %arg15[%swap3A_364], %broadcast_in_dim3A_363 {strides = array<i32>} : memref<512xf32, #tpu.memory_space<vmem>>, vector<16xf32>,
      %broadcast_in_dim3A_366 = arith.constant 1073741824 : i32
      %broadcast_in_dim3A_367 = vector.broadcast %broadcast_in_dim3A_366 : i32 to vector<16xi32>
      %swap3A_368 = arith.constant 432 : index
      %swap3A_369 = tpu.vector_load %arg16[%swap3A_368] {strides = array<i32>} : memref<512xi32, #tpu.memory_space<vmem>>, vector<16xi32>,
      tpu.vector_store %arg16[%swap3A_368], %broadcast_in_dim3A_367 {strides = array<i32>} : memref<512xi32, #tpu.memory_space<vmem>>, vector<16xi32>,
      %broadcast_in_dim3A_370 = arith.constant -1.000000e+00 : f32
      %broadcast_in_dim3A_371 = vector.broadcast %broadcast_in_dim3A_370 : f32 to vector<16xf32>
      %swap3A_372 = arith.constant 448 : index
      %swap3A_373 = tpu.vector_load %arg15[%swap3A_372] {strides = array<i32>} : memref<512xf32, #tpu.memory_space<vmem>>, vector<16xf32>,
      tpu.vector_store %arg15[%swap3A_372], %broadcast_in_dim3A_371 {strides = array<i32>} : memref<512xf32, #tpu.memory_space<vmem>>, vector<16xf32>,
      %broadcast_in_dim3A_374 = arith.constant 1073741824 : i32
      %broadcast_in_dim3A_375 = vector.broadcast %broadcast_in_dim3A_374 : i32 to vector<16xi32>
      %swap3A_376 = arith.constant 448 : index
      %swap3A_377 = tpu.vector_load %arg16[%swap3A_376] {strides = array<i32>} : memref<512xi32, #tpu.memory_space<vmem>>, vector<16xi32>,
      tpu.vector_store %arg16[%swap3A_376], %broadcast_in_dim3A_375 {strides = array<i32>} : memref<512xi32, #tpu.memory_space<vmem>>, vector<16xi32>,
      %broadcast_in_dim3A_378 = arith.constant -1.000000e+00 : f32
      %broadcast_in_dim3A_379 = vector.broadcast %broadcast_in_dim3A_378 : f32 to vector<16xf32>
      %swap3A_380 = arith.constant 464 : index
      %swap3A_381 = tpu.vector_load %arg15[%swap3A_380] {strides = array<i32>} : memref<512xf32, #tpu.memory_space<vmem>>, vector<16xf32>,
      tpu.vector_store %arg15[%swap3A_380], %broadcast_in_dim3A_379 {strides = array<i32>} : memref<512xf32, #tpu.memory_space<vmem>>, vector<16xf32>,
      %broadcast_in_dim3A_382 = arith.constant 1073741824 : i32
      %broadcast_in_dim3A_383 = vector.broadcast %broadcast_in_dim3A_382 : i32 to vector<16xi32>
      %swap3A_384 = arith.constant 464 : index
      %swap3A_385 = tpu.vector_load %arg16[%swap3A_384] {strides = array<i32>} : memref<512xi32, #tpu.memory_space<vmem>>, vector<16xi32>,
      tpu.vector_store %arg16[%swap3A_384], %broadcast_in_dim3A_383 {strides = array<i32>} : memref<512xi32, #tpu.memory_space<vmem>>, vector<16xi32>,
      %broadcast_in_dim3A_386 = arith.constant -1.000000e+00 : f32
      %broadcast_in_dim3A_387 = vector.broadcast %broadcast_in_dim3A_386 : f32 to vector<16xf32>
      %swap3A_388 = arith.constant 480 : index
      %swap3A_389 = tpu.vector_load %arg15[%swap3A_388] {strides = array<i32>} : memref<512xf32, #tpu.memory_space<vmem>>, vector<16xf32>,
      tpu.vector_store %arg15[%swap3A_388], %broadcast_in_dim3A_387 {strides = array<i32>} : memref<512xf32, #tpu.memory_space<vmem>>, vector<16xf32>,
      %broadcast_in_dim3A_390 = arith.constant 1073741824 : i32
      %broadcast_in_dim3A_391 = vector.broadcast %broadcast_in_dim3A_390 : i32 to vector<16xi32>
      %swap3A_392 = arith.constant 480 : index
      %swap3A_393 = tpu.vector_load %arg16[%swap3A_392] {strides = array<i32>} : memref<512xi32, #tpu.memory_space<vmem>>, vector<16xi32>,
      tpu.vector_store %arg16[%swap3A_392], %broadcast_in_dim3A_391 {strides = array<i32>} : memref<512xi32, #tpu.memory_space<vmem>>, vector<16xi32>,
      %broadcast_in_dim3A_394 = arith.constant -1.000000e+00 : f32
      %broadcast_in_dim3A_395 = vector.broadcast %broadcast_in_dim3A_394 : f32 to vector<16xf32>
      %swap3A_396 = arith.constant 496 : index
      %swap3A_397 = tpu.vector_load %arg15[%swap3A_396] {strides = array<i32>} : memref<512xf32, #tpu.memory_space<vmem>>, vector<16xf32>,
      tpu.vector_store %arg15[%swap3A_396], %broadcast_in_dim3A_395 {strides = array<i32>} : memref<512xf32, #tpu.memory_space<vmem>>, vector<16xf32>,
      %broadcast_in_dim3A_398 = arith.constant 1073741824 : i32
      %broadcast_in_dim3A_399 = vector.broadcast %broadcast_in_dim3A_398 : i32 to vector<16xi32>
      %swap3A_400 = arith.constant 496 : index
      %swap3A_401 = tpu.vector_load %arg16[%swap3A_400] {strides = array<i32>} : memref<512xi32, #tpu.memory_space<vmem>>, vector<16xi32>,
      tpu.vector_store %arg16[%swap3A_400], %broadcast_in_dim3A_399 {strides = array<i32>} : memref<512xi32, #tpu.memory_space<vmem>>, vector<16xi32>,
      %broadcast_in_dim3A_402 = arith.constant 0 : i32
      %broadcast_in_dim3A_403 = vector.broadcast %broadcast_in_dim3A_402 : i32 to vector<16xi32>
      %scan3A_404 = arith.constant 0 : i32
      %scan3A_405 = arith.constant 128 : i32
      %scan3A_406 = arith.addi %scan3A_404, %scan3A_405 : i32
      %scan3A_407 = arith.constant 1 : i32
      %scan3A_408 = scf.for %scan3A_410 = %scan3A_404 to %scan3A_406 step %scan3A_407 iter_args(%scan3A_411 = %broadcast_in_dim3A_403) -> (vector<16xi32>)  : i32 {
        %broadcast_in_dim3A_412 = vector.broadcast %scan3A_410 : i32 to vector<16xi32>
        %add3A_413 = arith.constant 0 : i32
        %add3A_414 = vector.broadcast %add3A_413 : i32 to vector<16xi32>
        %add3A_415 = arith.addi %iota3A, %add3A_414 : vector<16xi32>
        %gather3A = tpu.vector_load_idx %arg12[%broadcast_in_dim3A_412, %add3A_415] : memref<128x96xf32, #tpu.memory_space<vmem>>[vector<16xi32>, vector<16xi32>], vector<16xf32>,
        %add3A_416 = arith.constant 16 : i32
        %add3A_417 = vector.broadcast %add3A_416 : i32 to vector<16xi32>
        %add3A_418 = arith.addi %iota3A, %add3A_417 : vector<16xi32>
        %gather3A_419 = tpu.vector_load_idx %arg12[%broadcast_in_dim3A_412, %add3A_418] : memref<128x96xf32, #tpu.memory_space<vmem>>[vector<16xi32>, vector<16xi32>], vector<16xf32>,
        %add3A_420 = arith.constant 32 : i32
        %add3A_421 = vector.broadcast %add3A_420 : i32 to vector<16xi32>
        %add3A_422 = arith.addi %iota3A, %add3A_421 : vector<16xi32>
        %gather3A_423 = tpu.vector_load_idx %arg12[%broadcast_in_dim3A_412, %add3A_422] : memref<128x96xf32, #tpu.memory_space<vmem>>[vector<16xi32>, vector<16xi32>], vector<16xf32>,
        %add3A_424 = arith.constant 48 : i32
        %add3A_425 = vector.broadcast %add3A_424 : i32 to vector<16xi32>
        %add3A_426 = arith.addi %iota3A, %add3A_425 : vector<16xi32>
        %gather3A_427 = tpu.vector_load_idx %arg12[%broadcast_in_dim3A_412, %add3A_426] : memref<128x96xf32, #tpu.memory_space<vmem>>[vector<16xi32>, vector<16xi32>], vector<16xf32>,
        %add3A_428 = arith.constant 64 : i32
        %add3A_429 = vector.broadcast %add3A_428 : i32 to vector<16xi32>
        %add3A_430 = arith.addi %iota3A, %add3A_429 : vector<16xi32>
        %gather3A_431 = tpu.vector_load_idx %arg12[%broadcast_in_dim3A_412, %add3A_430] : memref<128x96xf32, #tpu.memory_space<vmem>>[vector<16xi32>, vector<16xi32>], vector<16xf32>,
        %add3A_432 = arith.constant 80 : i32
        %add3A_433 = vector.broadcast %add3A_432 : i32 to vector<16xi32>
        %add3A_434 = arith.addi %iota3A, %add3A_433 : vector<16xi32>
        %gather3A_435 = tpu.vector_load_idx %arg12[%broadcast_in_dim3A_412, %add3A_434] : memref<128x96xf32, #tpu.memory_space<vmem>>[vector<16xi32>, vector<16xi32>], vector<16xf32>,
        %broadcast_in_dim3A_436 = arith.constant -3.000000e+38 : f32
        %broadcast_in_dim3A_437 = vector.broadcast %broadcast_in_dim3A_436 : f32 to vector<16xf32>
        %lt3A_438 = arith.constant 92 : i32
        %lt3A_439 = vector.broadcast %lt3A_438 : i32 to vector<16xi32>
        %lt3A_440 = arith.cmpi slt, %add3A_415, %lt3A_439 : vector<16xi32>
        %jit3A_441 = arith.constant -3.000000e+38 : f32
        %broadcast_in_dim3A_442 = vector.broadcast %jit3A_441 : f32 to vector<16xf32>
        %select_n3A_443 = arith.select %lt3A_440, %gather3A, %broadcast_in_dim3A_442 : vector<16xi1>, vector<16xf32>
        %max3A = arith.maximumf %broadcast_in_dim3A_437, %select_n3A_443 : vector<16xf32>
        %lt3A_444 = arith.constant 92 : i32
        %lt3A_445 = vector.broadcast %lt3A_444 : i32 to vector<16xi32>
        %lt3A_446 = arith.cmpi slt, %add3A_418, %lt3A_445 : vector<16xi32>
        %jit3A_447 = arith.constant -3.000000e+38 : f32
        %broadcast_in_dim3A_448 = vector.broadcast %jit3A_447 : f32 to vector<16xf32>
        %select_n3A_449 = arith.select %lt3A_446, %gather3A_419, %broadcast_in_dim3A_448 : vector<16xi1>, vector<16xf32>
        %max3A_450 = arith.maximumf %max3A, %select_n3A_449 : vector<16xf32>
        %lt3A_451 = arith.constant 92 : i32
        %lt3A_452 = vector.broadcast %lt3A_451 : i32 to vector<16xi32>
        %lt3A_453 = arith.cmpi slt, %add3A_422, %lt3A_452 : vector<16xi32>
        %jit3A_454 = arith.constant -3.000000e+38 : f32
        %broadcast_in_dim3A_455 = vector.broadcast %jit3A_454 : f32 to vector<16xf32>
        %select_n3A_456 = arith.select %lt3A_453, %gather3A_423, %broadcast_in_dim3A_455 : vector<16xi1>, vector<16xf32>
        %max3A_457 = arith.maximumf %max3A_450, %select_n3A_456 : vector<16xf32>
        %lt3A_458 = arith.constant 92 : i32
        %lt3A_459 = vector.broadcast %lt3A_458 : i32 to vector<16xi32>
        %lt3A_460 = arith.cmpi slt, %add3A_426, %lt3A_459 : vector<16xi32>
        %jit3A_461 = arith.constant -3.000000e+38 : f32
        %broadcast_in_dim3A_462 = vector.broadcast %jit3A_461 : f32 to vector<16xf32>
        %select_n3A_463 = arith.select %lt3A_460, %gather3A_427, %broadcast_in_dim3A_462 : vector<16xi1>, vector<16xf32>
        %max3A_464 = arith.maximumf %max3A_457, %select_n3A_463 : vector<16xf32>
        %lt3A_465 = arith.constant 92 : i32
        %lt3A_466 = vector.broadcast %lt3A_465 : i32 to vector<16xi32>
        %lt3A_467 = arith.cmpi slt, %add3A_430, %lt3A_466 : vector<16xi32>
        %jit3A_468 = arith.constant -3.000000e+38 : f32
        %broadcast_in_dim3A_469 = vector.broadcast %jit3A_468 : f32 to vector<16xf32>
        %select_n3A_470 = arith.select %lt3A_467, %gather3A_431, %broadcast_in_dim3A_469 : vector<16xi1>, vector<16xf32>
        %max3A_471 = arith.maximumf %max3A_464, %select_n3A_470 : vector<16xf32>
        %lt3A_472 = arith.constant 92 : i32
        %lt3A_473 = vector.broadcast %lt3A_472 : i32 to vector<16xi32>
        %lt3A_474 = arith.cmpi slt, %add3A_434, %lt3A_473 : vector<16xi32>
        %jit3A_475 = arith.constant -3.000000e+38 : f32
        %broadcast_in_dim3A_476 = vector.broadcast %jit3A_475 : f32 to vector<16xf32>
        %select_n3A_477 = arith.select %lt3A_474, %gather3A_435, %broadcast_in_dim3A_476 : vector<16xi1>, vector<16xf32>
        %max3A_478 = arith.maximumf %max3A_471, %select_n3A_477 : vector<16xf32>
        %reduce_max3A = arith.constant true
        %reduce_max3A_479 = vector.broadcast %reduce_max3A : i1 to vector<16xi1>
        %reduce_max3A_480 = tpu.scan <max>, %max3A_478 masked %reduce_max3A_479 : vector<16xf32>, vector<16xi1> -> vector<16xf32>
        %reduce_max3A_481 = vector.extract %reduce_max3A_480[15] : f32 from vector<16xf32>
        %broadcast_in_dim3A_482 = arith.constant 0.000000e+00 : f32
        %broadcast_in_dim3A_483 = vector.broadcast %broadcast_in_dim3A_482 : f32 to vector<16xf32>
        %lt3A_484 = arith.constant 92 : i32
        %lt3A_485 = vector.broadcast %lt3A_484 : i32 to vector<16xi32>
        %lt3A_486 = arith.cmpi slt, %add3A_415, %lt3A_485 : vector<16xi32>
        %sub3A = vector.broadcast %reduce_max3A_481 : f32 to vector<16xf32>
        %sub3A_487 = arith.subf %gather3A, %sub3A : vector<16xf32>
        %exp3A = math.exp %sub3A_487 : vector<16xf32>
        %jit3A_488 = arith.constant 0.000000e+00 : f32
        %broadcast_in_dim3A_489 = vector.broadcast %jit3A_488 : f32 to vector<16xf32>
        %select_n3A_490 = arith.select %lt3A_486, %exp3A, %broadcast_in_dim3A_489 : vector<16xi1>, vector<16xf32>
        %add3A_491 = arith.addf %broadcast_in_dim3A_483, %select_n3A_490 : vector<16xf32>
        %lt3A_492 = arith.constant 92 : i32
        %lt3A_493 = vector.broadcast %lt3A_492 : i32 to vector<16xi32>
        %lt3A_494 = arith.cmpi slt, %add3A_418, %lt3A_493 : vector<16xi32>
        %sub3A_495 = vector.broadcast %reduce_max3A_481 : f32 to vector<16xf32>
        %sub3A_496 = arith.subf %gather3A_419, %sub3A_495 : vector<16xf32>
        %exp3A_497 = math.exp %sub3A_496 : vector<16xf32>
        %jit3A_498 = arith.constant 0.000000e+00 : f32
        %broadcast_in_dim3A_499 = vector.broadcast %jit3A_498 : f32 to vector<16xf32>
        %select_n3A_500 = arith.select %lt3A_494, %exp3A_497, %broadcast_in_dim3A_499 : vector<16xi1>, vector<16xf32>
        %add3A_501 = arith.addf %add3A_491, %select_n3A_500 : vector<16xf32>
        %lt3A_502 = arith.constant 92 : i32
        %lt3A_503 = vector.broadcast %lt3A_502 : i32 to vector<16xi32>
        %lt3A_504 = arith.cmpi slt, %add3A_422, %lt3A_503 : vector<16xi32>
        %sub3A_505 = vector.broadcast %reduce_max3A_481 : f32 to vector<16xf32>
        %sub3A_506 = arith.subf %gather3A_423, %sub3A_505 : vector<16xf32>
        %exp3A_507 = math.exp %sub3A_506 : vector<16xf32>
        %jit3A_508 = arith.constant 0.000000e+00 : f32
        %broadcast_in_dim3A_509 = vector.broadcast %jit3A_508 : f32 to vector<16xf32>
        %select_n3A_510 = arith.select %lt3A_504, %exp3A_507, %broadcast_in_dim3A_509 : vector<16xi1>, vector<16xf32>
        %add3A_511 = arith.addf %add3A_501, %select_n3A_510 : vector<16xf32>
        %lt3A_512 = arith.constant 92 : i32
        %lt3A_513 = vector.broadcast %lt3A_512 : i32 to vector<16xi32>
        %lt3A_514 = arith.cmpi slt, %add3A_426, %lt3A_513 : vector<16xi32>
        %sub3A_515 = vector.broadcast %reduce_max3A_481 : f32 to vector<16xf32>
        %sub3A_516 = arith.subf %gather3A_427, %sub3A_515 : vector<16xf32>
        %exp3A_517 = math.exp %sub3A_516 : vector<16xf32>
        %jit3A_518 = arith.constant 0.000000e+00 : f32
        %broadcast_in_dim3A_519 = vector.broadcast %jit3A_518 : f32 to vector<16xf32>
        %select_n3A_520 = arith.select %lt3A_514, %exp3A_517, %broadcast_in_dim3A_519 : vector<16xi1>, vector<16xf32>
        %add3A_521 = arith.addf %add3A_511, %select_n3A_520 : vector<16xf32>
        %lt3A_522 = arith.constant 92 : i32
        %lt3A_523 = vector.broadcast %lt3A_522 : i32 to vector<16xi32>
        %lt3A_524 = arith.cmpi slt, %add3A_430, %lt3A_523 : vector<16xi32>
        %sub3A_525 = vector.broadcast %reduce_max3A_481 : f32 to vector<16xf32>
        %sub3A_526 = arith.subf %gather3A_431, %sub3A_525 : vector<16xf32>
        %exp3A_527 = math.exp %sub3A_526 : vector<16xf32>
        %jit3A_528 = arith.constant 0.000000e+00 : f32
        %broadcast_in_dim3A_529 = vector.broadcast %jit3A_528 : f32 to vector<16xf32>
        %select_n3A_530 = arith.select %lt3A_524, %exp3A_527, %broadcast_in_dim3A_529 : vector<16xi1>, vector<16xf32>
        %add3A_531 = arith.addf %add3A_521, %select_n3A_530 : vector<16xf32>
        %lt3A_532 = arith.constant 92 : i32
        %lt3A_533 = vector.broadcast %lt3A_532 : i32 to vector<16xi32>
        %lt3A_534 = arith.cmpi slt, %add3A_434, %lt3A_533 : vector<16xi32>
        %sub3A_535 = vector.broadcast %reduce_max3A_481 : f32 to vector<16xf32>
        %sub3A_536 = arith.subf %gather3A_435, %sub3A_535 : vector<16xf32>
        %exp3A_537 = math.exp %sub3A_536 : vector<16xf32>
        %jit3A_538 = arith.constant 0.000000e+00 : f32
        %broadcast_in_dim3A_539 = vector.broadcast %jit3A_538 : f32 to vector<16xf32>
        %select_n3A_540 = arith.select %lt3A_534, %exp3A_537, %broadcast_in_dim3A_539 : vector<16xi1>, vector<16xf32>
        %add3A_541 = arith.addf %add3A_531, %select_n3A_540 : vector<16xf32>
        %broadcast_in_dim3A_542 = arith.constant 1.000000e+00 : f32
        %broadcast_in_dim3A_543 = vector.broadcast %broadcast_in_dim3A_542 : f32 to vector<16xf32>
        %reduce_sum3A = arith.constant true
        %reduce_sum3A_544 = vector.broadcast %reduce_sum3A : i1 to vector<16xi1>
        %reduce_sum3A_545 = tpu.scan <sum>, %add3A_541 masked %reduce_sum3A_544 : vector<16xf32>, vector<16xi1> -> vector<16xf32>
        %reduce_sum3A_546 = vector.extract %reduce_sum3A_545[15] : f32 from vector<16xf32>
        %div3A = vector.broadcast %reduce_sum3A_546 : f32 to vector<16xf32>
        %div3A_547 = arith.divf %broadcast_in_dim3A_543, %div3A : vector<16xf32>
        %lt3A_548 = arith.cmpi slt, %broadcast_in_dim3A_412, %scan3A_25 : vector<16xi32>
        %mul3A_549 = arith.mulf %select_n3A_490, %div3A_547 : vector<16xf32>
        %ge3A_550 = arith.cmpf oge, %mul3A_549, %get3A_3 : vector<16xf32>
        %lt3A_551 = arith.constant 91 : i32
        %lt3A_552 = vector.broadcast %lt3A_551 : i32 to vector<16xi32>
        %lt3A_553 = arith.cmpi slt, %add3A_415, %lt3A_552 : vector<16xi32>
        %and3A = arith.andi %ge3A_550, %lt3A_553 : vector<16xi1>
        %and3A_554 = arith.andi %and3A, %lt3A_548 : vector<16xi1>
        %convert_element_type3A_555 = arith.extui %and3A_554 : vector<16xi1> to vector<16xi32>
        %broadcast_in_dim3A_556 = arith.constant true
        %broadcast_in_dim3A_557 = vector.broadcast %broadcast_in_dim3A_556 : i1 to vector<16xi1>
        %masked_cumsum3A = tpu.scan <sum>, %convert_element_type3A_555 masked %broadcast_in_dim3A_557 : vector<16xi32>, vector<16xi1> -> vector<16xi32>
        %add3A_558 = arith.addi %scan3A_411, %masked_cumsum3A : vector<16xi32>
        %sub3A_559 = arith.constant 1 : i32
        %sub3A_560 = vector.broadcast %sub3A_559 : i32 to vector<16xi32>
        %sub3A_561 = arith.subi %add3A_558, %sub3A_560 : vector<16xi32>
        %lt3A_562 = arith.constant 512 : i32
        %lt3A_563 = vector.broadcast %lt3A_562 : i32 to vector<16xi32>
        %lt3A_564 = arith.cmpi slt, %sub3A_561, %lt3A_563 : vector<16xi32>
        %and3A_565 = arith.andi %and3A_554, %lt3A_564 : vector<16xi1>
        %jit3A_566 = arith.constant 0 : i32
        %broadcast_in_dim3A_567 = vector.broadcast %jit3A_566 : i32 to vector<16xi32>
        %select_n3A_568 = arith.select %and3A_565, %sub3A_561, %broadcast_in_dim3A_567 : vector<16xi1>, vector<16xi32>
        tpu.vector_store_idx %arg15[%select_n3A_568], %mul3A_549 masked %and3A_565 : memref<512xf32, #tpu.memory_space<vmem>>[vector<16xi32>], vector<16xf32>, vector<16xi1>
        %mul3A_569 = arith.constant 91 : i32
        %mul3A_570 = vector.broadcast %mul3A_569 : i32 to vector<16xi32>
        %mul3A_571 = arith.muli %broadcast_in_dim3A_412, %mul3A_570 : vector<16xi32>
        %add3A_572 = arith.addi %mul3A_571, %add3A_415 : vector<16xi32>
        tpu.vector_store_idx %arg16[%select_n3A_568], %add3A_572 masked %and3A_565 : memref<512xi32, #tpu.memory_space<vmem>>[vector<16xi32>], vector<16xi32>, vector<16xi1>
        %all_reduce_population_count3A = tpu.all_reduce %and3A_554 {dim = 0 : i64, kind = #tpu.reduction_kind<sum>} : vector<16xi1> -> vector<16xi32>
        %add3A_573 = arith.addi %scan3A_411, %all_reduce_population_count3A : vector<16xi32>
        %mul3A_574 = arith.mulf %select_n3A_500, %div3A_547 : vector<16xf32>
        %ge3A_575 = arith.cmpf oge, %mul3A_574, %get3A_3 : vector<16xf32>
        %lt3A_576 = arith.constant 91 : i32
        %lt3A_577 = vector.broadcast %lt3A_576 : i32 to vector<16xi32>
        %lt3A_578 = arith.cmpi slt, %add3A_418, %lt3A_577 : vector<16xi32>
        %and3A_579 = arith.andi %ge3A_575, %lt3A_578 : vector<16xi1>
        %and3A_580 = arith.andi %and3A_579, %lt3A_548 : vector<16xi1>
        %convert_element_type3A_581 = arith.extui %and3A_580 : vector<16xi1> to vector<16xi32>
        %broadcast_in_dim3A_582 = arith.constant true
        %broadcast_in_dim3A_583 = vector.broadcast %broadcast_in_dim3A_582 : i1 to vector<16xi1>
        %masked_cumsum3A_584 = tpu.scan <sum>, %convert_element_type3A_581 masked %broadcast_in_dim3A_583 : vector<16xi32>, vector<16xi1> -> vector<16xi32>
        %add3A_585 = arith.addi %add3A_573, %masked_cumsum3A_584 : vector<16xi32>
        %sub3A_586 = arith.constant 1 : i32
        %sub3A_587 = vector.broadcast %sub3A_586 : i32 to vector<16xi32>
        %sub3A_588 = arith.subi %add3A_585, %sub3A_587 : vector<16xi32>
        %lt3A_589 = arith.constant 512 : i32
        %lt3A_590 = vector.broadcast %lt3A_589 : i32 to vector<16xi32>
        %lt3A_591 = arith.cmpi slt, %sub3A_588, %lt3A_590 : vector<16xi32>
        %and3A_592 = arith.andi %and3A_580, %lt3A_591 : vector<16xi1>
        %jit3A_593 = arith.constant 0 : i32
        %broadcast_in_dim3A_594 = vector.broadcast %jit3A_593 : i32 to vector<16xi32>
        %select_n3A_595 = arith.select %and3A_592, %sub3A_588, %broadcast_in_dim3A_594 : vector<16xi1>, vector<16xi32>
        tpu.vector_store_idx %arg15[%select_n3A_595], %mul3A_574 masked %and3A_592 : memref<512xf32, #tpu.memory_space<vmem>>[vector<16xi32>], vector<16xf32>, vector<16xi1>
        %mul3A_596 = arith.constant 91 : i32
        %mul3A_597 = vector.broadcast %mul3A_596 : i32 to vector<16xi32>
        %mul3A_598 = arith.muli %broadcast_in_dim3A_412, %mul3A_597 : vector<16xi32>
        %add3A_599 = arith.addi %mul3A_598, %add3A_418 : vector<16xi32>
        tpu.vector_store_idx %arg16[%select_n3A_595], %add3A_599 masked %and3A_592 : memref<512xi32, #tpu.memory_space<vmem>>[vector<16xi32>], vector<16xi32>, vector<16xi1>
        %all_reduce_population_count3A_600 = tpu.all_reduce %and3A_580 {dim = 0 : i64, kind = #tpu.reduction_kind<sum>} : vector<16xi1> -> vector<16xi32>
        %add3A_601 = arith.addi %add3A_573, %all_reduce_population_count3A_600 : vector<16xi32>
        %mul3A_602 = arith.mulf %select_n3A_510, %div3A_547 : vector<16xf32>
        %ge3A_603 = arith.cmpf oge, %mul3A_602, %get3A_3 : vector<16xf32>
        %lt3A_604 = arith.constant 91 : i32
        %lt3A_605 = vector.broadcast %lt3A_604 : i32 to vector<16xi32>
        %lt3A_606 = arith.cmpi slt, %add3A_422, %lt3A_605 : vector<16xi32>
        %and3A_607 = arith.andi %ge3A_603, %lt3A_606 : vector<16xi1>
        %and3A_608 = arith.andi %and3A_607, %lt3A_548 : vector<16xi1>
        %convert_element_type3A_609 = arith.extui %and3A_608 : vector<16xi1> to vector<16xi32>
        %broadcast_in_dim3A_610 = arith.constant true
        %broadcast_in_dim3A_611 = vector.broadcast %broadcast_in_dim3A_610 : i1 to vector<16xi1>
        %masked_cumsum3A_612 = tpu.scan <sum>, %convert_element_type3A_609 masked %broadcast_in_dim3A_611 : vector<16xi32>, vector<16xi1> -> vector<16xi32>
        %add3A_613 = arith.addi %add3A_601, %masked_cumsum3A_612 : vector<16xi32>
        %sub3A_614 = arith.constant 1 : i32
        %sub3A_615 = vector.broadcast %sub3A_614 : i32 to vector<16xi32>
        %sub3A_616 = arith.subi %add3A_613, %sub3A_615 : vector<16xi32>
        %lt3A_617 = arith.constant 512 : i32
        %lt3A_618 = vector.broadcast %lt3A_617 : i32 to vector<16xi32>
        %lt3A_619 = arith.cmpi slt, %sub3A_616, %lt3A_618 : vector<16xi32>
        %and3A_620 = arith.andi %and3A_608, %lt3A_619 : vector<16xi1>
        %jit3A_621 = arith.constant 0 : i32
        %broadcast_in_dim3A_622 = vector.broadcast %jit3A_621 : i32 to vector<16xi32>
        %select_n3A_623 = arith.select %and3A_620, %sub3A_616, %broadcast_in_dim3A_622 : vector<16xi1>, vector<16xi32>
        tpu.vector_store_idx %arg15[%select_n3A_623], %mul3A_602 masked %and3A_620 : memref<512xf32, #tpu.memory_space<vmem>>[vector<16xi32>], vector<16xf32>, vector<16xi1>
        %mul3A_624 = arith.constant 91 : i32
        %mul3A_625 = vector.broadcast %mul3A_624 : i32 to vector<16xi32>
        %mul3A_626 = arith.muli %broadcast_in_dim3A_412, %mul3A_625 : vector<16xi32>
        %add3A_627 = arith.addi %mul3A_626, %add3A_422 : vector<16xi32>
        tpu.vector_store_idx %arg16[%select_n3A_623], %add3A_627 masked %and3A_620 : memref<512xi32, #tpu.memory_space<vmem>>[vector<16xi32>], vector<16xi32>, vector<16xi1>
        %all_reduce_population_count3A_628 = tpu.all_reduce %and3A_608 {dim = 0 : i64, kind = #tpu.reduction_kind<sum>} : vector<16xi1> -> vector<16xi32>
        %add3A_629 = arith.addi %add3A_601, %all_reduce_population_count3A_628 : vector<16xi32>
        %mul3A_630 = arith.mulf %select_n3A_520, %div3A_547 : vector<16xf32>
        %ge3A_631 = arith.cmpf oge, %mul3A_630, %get3A_3 : vector<16xf32>
        %lt3A_632 = arith.constant 91 : i32
        %lt3A_633 = vector.broadcast %lt3A_632 : i32 to vector<16xi32>
        %lt3A_634 = arith.cmpi slt, %add3A_426, %lt3A_633 : vector<16xi32>
        %and3A_635 = arith.andi %ge3A_631, %lt3A_634 : vector<16xi1>
        %and3A_636 = arith.andi %and3A_635, %lt3A_548 : vector<16xi1>
        %convert_element_type3A_637 = arith.extui %and3A_636 : vector<16xi1> to vector<16xi32>
        %broadcast_in_dim3A_638 = arith.constant true
        %broadcast_in_dim3A_639 = vector.broadcast %broadcast_in_dim3A_638 : i1 to vector<16xi1>
        %masked_cumsum3A_640 = tpu.scan <sum>, %convert_element_type3A_637 masked %broadcast_in_dim3A_639 : vector<16xi32>, vector<16xi1> -> vector<16xi32>
        %add3A_641 = arith.addi %add3A_629, %masked_cumsum3A_640 : vector<16xi32>
        %sub3A_642 = arith.constant 1 : i32
        %sub3A_643 = vector.broadcast %sub3A_642 : i32 to vector<16xi32>
        %sub3A_644 = arith.subi %add3A_641, %sub3A_643 : vector<16xi32>
        %lt3A_645 = arith.constant 512 : i32
        %lt3A_646 = vector.broadcast %lt3A_645 : i32 to vector<16xi32>
        %lt3A_647 = arith.cmpi slt, %sub3A_644, %lt3A_646 : vector<16xi32>
        %and3A_648 = arith.andi %and3A_636, %lt3A_647 : vector<16xi1>
        %jit3A_649 = arith.constant 0 : i32
        %broadcast_in_dim3A_650 = vector.broadcast %jit3A_649 : i32 to vector<16xi32>
        %select_n3A_651 = arith.select %and3A_648, %sub3A_644, %broadcast_in_dim3A_650 : vector<16xi1>, vector<16xi32>
        tpu.vector_store_idx %arg15[%select_n3A_651], %mul3A_630 masked %and3A_648 : memref<512xf32, #tpu.memory_space<vmem>>[vector<16xi32>], vector<16xf32>, vector<16xi1>
        %mul3A_652 = arith.constant 91 : i32
        %mul3A_653 = vector.broadcast %mul3A_652 : i32 to vector<16xi32>
        %mul3A_654 = arith.muli %broadcast_in_dim3A_412, %mul3A_653 : vector<16xi32>
        %add3A_655 = arith.addi %mul3A_654, %add3A_426 : vector<16xi32>
        tpu.vector_store_idx %arg16[%select_n3A_651], %add3A_655 masked %and3A_648 : memref<512xi32, #tpu.memory_space<vmem>>[vector<16xi32>], vector<16xi32>, vector<16xi1>
        %all_reduce_population_count3A_656 = tpu.all_reduce %and3A_636 {dim = 0 : i64, kind = #tpu.reduction_kind<sum>} : vector<16xi1> -> vector<16xi32>
        %add3A_657 = arith.addi %add3A_629, %all_reduce_population_count3A_656 : vector<16xi32>
        %mul3A_658 = arith.mulf %select_n3A_530, %div3A_547 : vector<16xf32>
        %ge3A_659 = arith.cmpf oge, %mul3A_658, %get3A_3 : vector<16xf32>
        %lt3A_660 = arith.constant 91 : i32
        %lt3A_661 = vector.broadcast %lt3A_660 : i32 to vector<16xi32>
        %lt3A_662 = arith.cmpi slt, %add3A_430, %lt3A_661 : vector<16xi32>
        %and3A_663 = arith.andi %ge3A_659, %lt3A_662 : vector<16xi1>
        %and3A_664 = arith.andi %and3A_663, %lt3A_548 : vector<16xi1>
        %convert_element_type3A_665 = arith.extui %and3A_664 : vector<16xi1> to vector<16xi32>
        %broadcast_in_dim3A_666 = arith.constant true
        %broadcast_in_dim3A_667 = vector.broadcast %broadcast_in_dim3A_666 : i1 to vector<16xi1>
        %masked_cumsum3A_668 = tpu.scan <sum>, %convert_element_type3A_665 masked %broadcast_in_dim3A_667 : vector<16xi32>, vector<16xi1> -> vector<16xi32>
        %add3A_669 = arith.addi %add3A_657, %masked_cumsum3A_668 : vector<16xi32>
        %sub3A_670 = arith.constant 1 : i32
        %sub3A_671 = vector.broadcast %sub3A_670 : i32 to vector<16xi32>
        %sub3A_672 = arith.subi %add3A_669, %sub3A_671 : vector<16xi32>
        %lt3A_673 = arith.constant 512 : i32
        %lt3A_674 = vector.broadcast %lt3A_673 : i32 to vector<16xi32>
        %lt3A_675 = arith.cmpi slt, %sub3A_672, %lt3A_674 : vector<16xi32>
        %and3A_676 = arith.andi %and3A_664, %lt3A_675 : vector<16xi1>
        %jit3A_677 = arith.constant 0 : i32
        %broadcast_in_dim3A_678 = vector.broadcast %jit3A_677 : i32 to vector<16xi32>
        %select_n3A_679 = arith.select %and3A_676, %sub3A_672, %broadcast_in_dim3A_678 : vector<16xi1>, vector<16xi32>
        tpu.vector_store_idx %arg15[%select_n3A_679], %mul3A_658 masked %and3A_676 : memref<512xf32, #tpu.memory_space<vmem>>[vector<16xi32>], vector<16xf32>, vector<16xi1>
        %mul3A_680 = arith.constant 91 : i32
        %mul3A_681 = vector.broadcast %mul3A_680 : i32 to vector<16xi32>
        %mul3A_682 = arith.muli %broadcast_in_dim3A_412, %mul3A_681 : vector<16xi32>
        %add3A_683 = arith.addi %mul3A_682, %add3A_430 : vector<16xi32>
        tpu.vector_store_idx %arg16[%select_n3A_679], %add3A_683 masked %and3A_676 : memref<512xi32, #tpu.memory_space<vmem>>[vector<16xi32>], vector<16xi32>, vector<16xi1>
        %all_reduce_population_count3A_684 = tpu.all_reduce %and3A_664 {dim = 0 : i64, kind = #tpu.reduction_kind<sum>} : vector<16xi1> -> vector<16xi32>
        %add3A_685 = arith.addi %add3A_657, %all_reduce_population_count3A_684 : vector<16xi32>
        %mul3A_686 = arith.mulf %select_n3A_540, %div3A_547 : vector<16xf32>
        %ge3A_687 = arith.cmpf oge, %mul3A_686, %get3A_3 : vector<16xf32>
        %lt3A_688 = arith.constant 91 : i32
        %lt3A_689 = vector.broadcast %lt3A_688 : i32 to vector<16xi32>
        %lt3A_690 = arith.cmpi slt, %add3A_434, %lt3A_689 : vector<16xi32>
        %and3A_691 = arith.andi %ge3A_687, %lt3A_690 : vector<16xi1>
        %and3A_692 = arith.andi %and3A_691, %lt3A_548 : vector<16xi1>
        %convert_element_type3A_693 = arith.extui %and3A_692 : vector<16xi1> to vector<16xi32>
        %broadcast_in_dim3A_694 = arith.constant true
        %broadcast_in_dim3A_695 = vector.broadcast %broadcast_in_dim3A_694 : i1 to vector<16xi1>
        %masked_cumsum3A_696 = tpu.scan <sum>, %convert_element_type3A_693 masked %broadcast_in_dim3A_695 : vector<16xi32>, vector<16xi1> -> vector<16xi32>
        %add3A_697 = arith.addi %add3A_685, %masked_cumsum3A_696 : vector<16xi32>
        %sub3A_698 = arith.constant 1 : i32
        %sub3A_699 = vector.broadcast %sub3A_698 : i32 to vector<16xi32>
        %sub3A_700 = arith.subi %add3A_697, %sub3A_699 : vector<16xi32>
        %lt3A_701 = arith.constant 512 : i32
        %lt3A_702 = vector.broadcast %lt3A_701 : i32 to vector<16xi32>
        %lt3A_703 = arith.cmpi slt, %sub3A_700, %lt3A_702 : vector<16xi32>
        %and3A_704 = arith.andi %and3A_692, %lt3A_703 : vector<16xi1>
        %jit3A_705 = arith.constant 0 : i32
        %broadcast_in_dim3A_706 = vector.broadcast %jit3A_705 : i32 to vector<16xi32>
        %select_n3A_707 = arith.select %and3A_704, %sub3A_700, %broadcast_in_dim3A_706 : vector<16xi1>, vector<16xi32>
        tpu.vector_store_idx %arg15[%select_n3A_707], %mul3A_686 masked %and3A_704 : memref<512xf32, #tpu.memory_space<vmem>>[vector<16xi32>], vector<16xf32>, vector<16xi1>
        %mul3A_708 = arith.constant 91 : i32
        %mul3A_709 = vector.broadcast %mul3A_708 : i32 to vector<16xi32>
        %mul3A_710 = arith.muli %broadcast_in_dim3A_412, %mul3A_709 : vector<16xi32>
        %add3A_711 = arith.addi %mul3A_710, %add3A_434 : vector<16xi32>
        tpu.vector_store_idx %arg16[%select_n3A_707], %add3A_711 masked %and3A_704 : memref<512xi32, #tpu.memory_space<vmem>>[vector<16xi32>], vector<16xi32>, vector<16xi1>
        %all_reduce_population_count3A_712 = tpu.all_reduce %and3A_692 {dim = 0 : i64, kind = #tpu.reduction_kind<sum>} : vector<16xi1> -> vector<16xi32>
        %add3A_713 = arith.addi %add3A_685, %all_reduce_population_count3A_712 : vector<16xi32>
        scf.yield %add3A_713 : vector<16xi32>
      }
      %scan3A_409 = arith.constant 128 : i32
      "tpu.region"() ({
        %run_scoped3A = tpu.sem_alloc : memref<!tpu.dma_semaphore, #tpu.memory_space<semaphore_mem>>
        %dma_start3A_410 = arith.constant 0 : i32
        %dma_start3A_411 = tpu.memref_slice %arg6[%add3A, %dma_start3A_410] : memref<8x512xf32, #tpu.memory_space<hbm>> -> memref<1x512xf32, #tpu.memory_space<hbm>>
        %dma_start3A_412 = tpu.memref_squeeze %dma_start3A_411 : memref<1x512xf32, #tpu.memory_space<hbm>> -> memref<512xf32, #tpu.memory_space<hbm>>
        %dma_start3A_413 = arith.constant 0 : i32
        %dma_start3A_414 = tpu.memref_slice %arg6[%add3A, %dma_start3A_413] : memref<8x512xf32, #tpu.memory_space<hbm>> -> memref<1x512xf32, #tpu.memory_space<hbm>>
        %dma_start3A_415 = tpu.memref_squeeze %dma_start3A_414 : memref<1x512xf32, #tpu.memory_space<hbm>> -> memref<512xf32, #tpu.memory_space<hbm>>
        tpu.enqueue_dma source(%arg15 : memref<512xf32, #tpu.memory_space<vmem>>) target(%dma_start3A_415 : memref<512xf32, #tpu.memory_space<hbm>>) target_semaphore(%run_scoped3A : memref<!tpu.dma_semaphore, #tpu.memory_space<semaphore_mem>>)
        %dma_wait3A_416 = arith.constant 0 : i32
        %dma_wait3A_417 = tpu.memref_slice %arg6[%add3A, %dma_wait3A_416] : memref<8x512xf32, #tpu.memory_space<hbm>> -> memref<1x512xf32, #tpu.memory_space<hbm>>
        %dma_wait3A_418 = tpu.memref_squeeze %dma_wait3A_417 : memref<1x512xf32, #tpu.memory_space<hbm>> -> memref<512xf32, #tpu.memory_space<hbm>>
        %dma_wait3A_419 = arith.constant 0 : i32
        %dma_wait3A_420 = tpu.memref_slice %arg6[%add3A, %dma_wait3A_419] : memref<8x512xf32, #tpu.memory_space<hbm>> -> memref<1x512xf32, #tpu.memory_space<hbm>>
        %dma_wait3A_421 = tpu.memref_squeeze %dma_wait3A_420 : memref<1x512xf32, #tpu.memory_space<hbm>> -> memref<512xf32, #tpu.memory_space<hbm>>
        tpu.wait_dma2 semaphore(%run_scoped3A : memref<!tpu.dma_semaphore, #tpu.memory_space<semaphore_mem>>) src(%arg15 : memref<512xf32, #tpu.memory_space<vmem>>) dst(%dma_wait3A_421 : memref<512xf32, #tpu.memory_space<hbm>>)
        tpu.yield
      }) : () -> ()
      "tpu.region"() ({
        %run_scoped3A = tpu.sem_alloc : memref<!tpu.dma_semaphore, #tpu.memory_space<semaphore_mem>>
        %dma_start3A_410 = arith.constant 0 : i32
        %dma_start3A_411 = tpu.memref_slice %arg7[%add3A, %dma_start3A_410] : memref<8x512xi32, #tpu.memory_space<hbm>> -> memref<1x512xi32, #tpu.memory_space<hbm>>
        %dma_start3A_412 = tpu.memref_squeeze %dma_start3A_411 : memref<1x512xi32, #tpu.memory_space<hbm>> -> memref<512xi32, #tpu.memory_space<hbm>>
        %dma_start3A_413 = arith.constant 0 : i32
        %dma_start3A_414 = tpu.memref_slice %arg7[%add3A, %dma_start3A_413] : memref<8x512xi32, #tpu.memory_space<hbm>> -> memref<1x512xi32, #tpu.memory_space<hbm>>
        %dma_start3A_415 = tpu.memref_squeeze %dma_start3A_414 : memref<1x512xi32, #tpu.memory_space<hbm>> -> memref<512xi32, #tpu.memory_space<hbm>>
        tpu.enqueue_dma source(%arg16 : memref<512xi32, #tpu.memory_space<vmem>>) target(%dma_start3A_415 : memref<512xi32, #tpu.memory_space<hbm>>) target_semaphore(%run_scoped3A : memref<!tpu.dma_semaphore, #tpu.memory_space<semaphore_mem>>)
        %dma_wait3A_416 = arith.constant 0 : i32
        %dma_wait3A_417 = tpu.memref_slice %arg7[%add3A, %dma_wait3A_416] : memref<8x512xi32, #tpu.memory_space<hbm>> -> memref<1x512xi32, #tpu.memory_space<hbm>>
        %dma_wait3A_418 = tpu.memref_squeeze %dma_wait3A_417 : memref<1x512xi32, #tpu.memory_space<hbm>> -> memref<512xi32, #tpu.memory_space<hbm>>
        %dma_wait3A_419 = arith.constant 0 : i32
        %dma_wait3A_420 = tpu.memref_slice %arg7[%add3A, %dma_wait3A_419] : memref<8x512xi32, #tpu.memory_space<hbm>> -> memref<1x512xi32, #tpu.memory_space<hbm>>
        %dma_wait3A_421 = tpu.memref_squeeze %dma_wait3A_420 : memref<1x512xi32, #tpu.memory_space<hbm>> -> memref<512xi32, #tpu.memory_space<hbm>>
        tpu.wait_dma2 semaphore(%run_scoped3A : memref<!tpu.dma_semaphore, #tpu.memory_space<semaphore_mem>>) src(%arg16 : memref<512xi32, #tpu.memory_space<vmem>>) dst(%dma_wait3A_421 : memref<512xi32, #tpu.memory_space<hbm>>)
        tpu.yield
      }) : () -> ()
      "tpu.region"() ({
        %run_scoped3A = tpu.sem_alloc : memref<!tpu.dma_semaphore, #tpu.memory_space<semaphore_mem>>
        %dma_start3A_410 = arith.constant 0 : i32
        %dma_start3A_411 = arith.constant 0 : i32
        %dma_start3A_412 = tpu.memref_slice %arg8[%add3A, %dma_start3A_410, %dma_start3A_411] : memref<8x128x16xf32, #tpu.memory_space<hbm>> -> memref<1x128x16xf32, #tpu.memory_space<hbm>>
        %dma_start3A_413 = tpu.memref_squeeze %dma_start3A_412 : memref<1x128x16xf32, #tpu.memory_space<hbm>> -> memref<128x16xf32, #tpu.memory_space<hbm>>
        %dma_start3A_414 = arith.constant 0 : i32
        %dma_start3A_415 = arith.constant 0 : i32
        %dma_start3A_416 = tpu.memref_slice %arg8[%add3A, %dma_start3A_414, %dma_start3A_415] : memref<8x128x16xf32, #tpu.memory_space<hbm>> -> memref<1x128x16xf32, #tpu.memory_space<hbm>>
        %dma_start3A_417 = tpu.memref_squeeze %dma_start3A_416 : memref<1x128x16xf32, #tpu.memory_space<hbm>> -> memref<128x16xf32, #tpu.memory_space<hbm>>
        tpu.enqueue_dma source(%arg13 : memref<128x16xf32, #tpu.memory_space<vmem>>) target(%dma_start3A_417 : memref<128x16xf32, #tpu.memory_space<hbm>>) target_semaphore(%run_scoped3A : memref<!tpu.dma_semaphore, #tpu.memory_space<semaphore_mem>>)
        %dma_wait3A_418 = arith.constant 0 : i32
        %dma_wait3A_419 = arith.constant 0 : i32
        %dma_wait3A_420 = tpu.memref_slice %arg8[%add3A, %dma_wait3A_418, %dma_wait3A_419] : memref<8x128x16xf32, #tpu.memory_space<hbm>> -> memref<1x128x16xf32, #tpu.memory_space<hbm>>
        %dma_wait3A_421 = tpu.memref_squeeze %dma_wait3A_420 : memref<1x128x16xf32, #tpu.memory_space<hbm>> -> memref<128x16xf32, #tpu.memory_space<hbm>>
        %dma_wait3A_422 = arith.constant 0 : i32
        %dma_wait3A_423 = arith.constant 0 : i32
        %dma_wait3A_424 = tpu.memref_slice %arg8[%add3A, %dma_wait3A_422, %dma_wait3A_423] : memref<8x128x16xf32, #tpu.memory_space<hbm>> -> memref<1x128x16xf32, #tpu.memory_space<hbm>>
        %dma_wait3A_425 = tpu.memref_squeeze %dma_wait3A_424 : memref<1x128x16xf32, #tpu.memory_space<hbm>> -> memref<128x16xf32, #tpu.memory_space<hbm>>
        tpu.wait_dma2 semaphore(%run_scoped3A : memref<!tpu.dma_semaphore, #tpu.memory_space<semaphore_mem>>) src(%arg13 : memref<128x16xf32, #tpu.memory_space<vmem>>) dst(%dma_wait3A_425 : memref<128x16xf32, #tpu.memory_space<hbm>>)
        tpu.yield
      }) : () -> ()
    } else {
    }
    return
  }
}

module attributes {stable_mosaic.version = 14 : i64} {
  func.func @_stats_body(%arg0: i32, %arg1: i32, %arg2: memref<1x2000x92xf32, #tpu.memory_space<vmem>>, %arg3: memref<1x1x2000xf32, #tpu.memory_space<vmem>>, %arg4: memref<1x2000x96xf32, #tpu.memory_space<vmem>>) attributes {dimension_semantics = [#tpu.dimension_semantics<arbitrary>, #tpu.dimension_semantics<arbitrary>], iteration_bounds = array<i64: 8, 10>, scalar_prefetch = 0 : i64, scratch_operands = 0 : i64, tpu.core_type = #tpu.core_type<tc>, window_params = [{transform_indices = @transform_0, window_bounds = array<i64: 1, 2000, 92>}, {transform_indices = @transform_1, window_bounds = array<i64: 1, 1, 2000>}, {transform_indices = @transform_2, window_bounds = array<i64: 1, 2000, 96>}]} {
    %get3A = arith.constant 0 : index
    %get3A_0 = arith.constant 0 : index
    %get3A_1 = arith.constant 0 : index
    %get3A_2 = vector.load %arg2[%get3A, %get3A_0, %get3A_1] : memref<1x2000x92xf32, #tpu.memory_space<vmem>>, vector<1x2000x92xf32>
    %get3A_3 = vector.shape_cast %get3A_2 : vector<1x2000x92xf32> to vector<2000x92xf32>
    %reduce_max3A = arith.constant dense<0xFF800000> : vector<2000xf32>
    %reduce_max3A_4 = vector.multi_reduction <maximumf>, %get3A_3, %reduce_max3A [1] : vector<2000x92xf32> to vector<2000xf32>
    %broadcast_in_dim3A = vector.shape_cast %reduce_max3A_4 : vector<2000xf32> to vector<2000x1xf32>
    %sub3A = vector.broadcast %broadcast_in_dim3A : vector<2000x1xf32> to vector<2000x92xf32>
    %sub3A_5 = arith.subf %get3A_3, %sub3A : vector<2000x92xf32>
    %exp3A = math.exp %sub3A_5 : vector<2000x92xf32>
    %reduce_sum3A = arith.constant dense<0.000000e+00> : vector<2000xf32>
    %reduce_sum3A_6 = vector.multi_reduction <add>, %exp3A, %reduce_sum3A [1] : vector<2000x92xf32> to vector<2000xf32>
    %slice3A = vector.extract_strided_slice %get3A_3 {offsets = [0, 0], sizes = [2000, 91], strides = [1, 1]} : vector<2000x92xf32> to vector<2000x91xf32>
    %reduce_max3A_7 = arith.constant dense<0xFF800000> : vector<2000xf32>
    %reduce_max3A_8 = vector.multi_reduction <maximumf>, %slice3A, %reduce_max3A_7 [1] : vector<2000x91xf32> to vector<2000xf32>
    %sub3A_9 = arith.subf %reduce_max3A_8, %reduce_max3A_4 : vector<2000xf32>
    %exp3A_10 = math.exp %sub3A_9 : vector<2000xf32>
    %div3A = arith.divf %exp3A_10, %reduce_sum3A_6 : vector<2000xf32>
    %swap3A = arith.constant 0 : index
    %swap3A_11 = arith.constant 0 : index
    %swap3A_12 = arith.constant 0 : index
    %swap3A_13 = vector.load %arg3[%swap3A, %swap3A_11, %swap3A_12] : memref<1x1x2000xf32, #tpu.memory_space<vmem>>, vector<1x1x2000xf32>
    %swap3A_14 = vector.shape_cast %swap3A_13 : vector<1x1x2000xf32> to vector<2000xf32>
    %swap3A_15 = vector.shape_cast %div3A : vector<2000xf32> to vector<1x1x2000xf32>
    tpu.vector_store %arg3[%swap3A, %swap3A_11, %swap3A_12], %swap3A_15 {strides = array<i32>} : memref<1x1x2000xf32, #tpu.memory_space<vmem>>, vector<1x1x2000xf32>,
    %broadcast_in_dim3A_16 = arith.constant 0.000000e+00 : f32
    %broadcast_in_dim3A_17 = vector.broadcast %broadcast_in_dim3A_16 : f32 to vector<2000x4xf32>
    %concatenate3A = tpu.concatenate %get3A_3, %broadcast_in_dim3A_17 in 1 : vector<2000x92xf32>, vector<2000x4xf32> -> vector<2000x96xf32>
    %swap3A_18 = arith.constant 0 : index
    %swap3A_19 = arith.constant 0 : index
    %swap3A_20 = arith.constant 0 : index
    %swap3A_21 = vector.load %arg4[%swap3A_18, %swap3A_19, %swap3A_20] : memref<1x2000x96xf32, #tpu.memory_space<vmem>>, vector<1x2000x96xf32>
    %swap3A_22 = vector.shape_cast %swap3A_21 : vector<1x2000x96xf32> to vector<2000x96xf32>
    %swap3A_23 = vector.shape_cast %concatenate3A : vector<2000x96xf32> to vector<1x2000x96xf32>
    tpu.vector_store %arg4[%swap3A_18, %swap3A_19, %swap3A_20], %swap3A_23 {strides = array<i32>} : memref<1x2000x96xf32, #tpu.memory_space<vmem>>, vector<1x2000x96xf32>,
    return
  }
  func.func @transform_0(%arg0: i32, %arg1: i32) -> (i32, i32, i32) {
    %c0_i32 = arith.constant 0 : i32
    %c0_i32_0 = arith.constant 0 : i32
    return %arg0, %arg1, %c0_i32 : i32, i32, i32
  }
  func.func @transform_1(%arg0: i32, %arg1: i32) -> (i32, i32, i32) {
    %mul3A = arith.constant 10 : i32
    %mul3A_0 = arith.muli %arg0, %mul3A : i32
    %add3A = arith.addi %mul3A_0, %arg1 : i32
    %c0_i32 = arith.constant 0 : i32
    %c0_i32_1 = arith.constant 0 : i32
    %c0_i32_2 = arith.constant 0 : i32
    return %add3A, %c0_i32, %c0_i32_1 : i32, i32, i32
  }
  func.func @transform_2(%arg0: i32, %arg1: i32) -> (i32, i32, i32) {
    %c0_i32 = arith.constant 0 : i32
    %c0_i32_0 = arith.constant 0 : i32
    return %arg0, %arg1, %c0_i32 : i32, i32, i32
  }
}

module attributes {stable_mosaic.version = 14 : i64} {
  func.func @_thresh_body(%arg0: memref<8x20000xf32, #tpu.memory_space<vmem>>, %arg1: memref<8x128xf32, #tpu.memory_space<vmem>>) attributes {dimension_semantics = [], scalar_prefetch = 0 : i64, scratch_operands = 0 : i64, tpu.core_type = #tpu.core_type<tc>} {
    %get3A = arith.constant 0 : index
    %get3A_0 = arith.constant 0 : index
    %get3A_1 = vector.load %arg0[%get3A, %get3A_0] : memref<8x20000xf32, #tpu.memory_space<vmem>>, vector<8x20000xf32>
    %broadcast_in_dim3A = arith.constant 0 : i32
    %broadcast_in_dim3A_2 = vector.broadcast %broadcast_in_dim3A : i32 to vector<8x1xi32>
    %broadcast_in_dim3A_3 = arith.constant 1065353217 : i32
    %broadcast_in_dim3A_4 = vector.broadcast %broadcast_in_dim3A_3 : i32 to vector<8x1xi32>
    %scan3A = arith.constant 0 : i32
    %scan3A_5 = arith.constant 31 : i32
    %scan3A_6 = arith.addi %scan3A, %scan3A_5 : i32
    %scan3A_7 = arith.constant 1 : i32
    %scan3A_8:2 = scf.for %scan3A_15 = %scan3A to %scan3A_6 step %scan3A_7 iter_args(%scan3A_16 = %broadcast_in_dim3A_2, %scan3A_17 = %broadcast_in_dim3A_4) -> (vector<8x1xi32>, vector<8x1xi32>)  : i32 {
      %add3A = arith.addi %scan3A_16, %scan3A_17 : vector<8x1xi32>
      %jit3A = arith.constant 2 : i32
      %div3A = vector.broadcast %jit3A : i32 to vector<8x1xi32>
      %div3A_18 = arith.divsi %add3A, %div3A : vector<8x1xi32>
      %sign3A = arith.constant 0 : i32
      %sign3A_19 = vector.broadcast %sign3A : i32 to vector<8x1xi32>
      %sign3A_20 = arith.cmpi sgt, %add3A, %sign3A_19 : vector<8x1xi32>
      %sign3A_21 = arith.extui %sign3A_20 : vector<8x1xi1> to vector<8x1xi32>
      %sign3A_22 = arith.constant 0 : i32
      %sign3A_23 = vector.broadcast %sign3A_22 : i32 to vector<8x1xi32>
      %sign3A_24 = arith.cmpi slt, %add3A, %sign3A_23 : vector<8x1xi32>
      %sign3A_25 = arith.extui %sign3A_24 : vector<8x1xi1> to vector<8x1xi32>
      %sign3A_26 = arith.subi %sign3A_21, %sign3A_25 : vector<8x1xi32>
      %sign3A_27 = arith.constant 0 : i32
      %sign3A_28 = arith.cmpi sgt, %jit3A, %sign3A_27 : i32
      %sign3A_29 = arith.extui %sign3A_28 : i1 to i32
      %sign3A_30 = arith.constant 0 : i32
      %sign3A_31 = arith.cmpi slt, %jit3A, %sign3A_30 : i32
      %sign3A_32 = arith.extui %sign3A_31 : i1 to i32
      %sign3A_33 = arith.subi %sign3A_29, %sign3A_32 : i32
      %ne3A = vector.broadcast %sign3A_33 : i32 to vector<8x1xi32>
      %ne3A_34 = arith.cmpi ne, %sign3A_26, %ne3A : vector<8x1xi32>
      %rem3A = vector.broadcast %jit3A : i32 to vector<8x1xi32>
      %rem3A_35 = arith.remsi %add3A, %rem3A : vector<8x1xi32>
      %ne3A_36 = arith.constant 0 : i32
      %ne3A_37 = vector.broadcast %ne3A_36 : i32 to vector<8x1xi32>
      %ne3A_38 = arith.cmpi ne, %rem3A_35, %ne3A_37 : vector<8x1xi32>
      %and3A = arith.andi %ne3A_34, %ne3A_38 : vector<8x1xi1>
      %sub3A = arith.constant 1 : i32
      %sub3A_39 = vector.broadcast %sub3A : i32 to vector<8x1xi32>
      %sub3A_40 = arith.subi %div3A_18, %sub3A_39 : vector<8x1xi32>
      %select_n3A = arith.select %and3A, %sub3A_40, %div3A_18 : vector<8x1xi1>, vector<8x1xi32>
      %bitcast_convert_type3A_41 = tpu.bitcast %select_n3A : vector<8x1xi32> -> vector<8x1xf32>
      %ge3A = vector.broadcast %bitcast_convert_type3A_41 : vector<8x1xf32> to vector<8x20000xf32>
      %ge3A_42 = arith.cmpf oge, %get3A_1, %ge3A : vector<8x20000xf32>
      %convert_element_type3A = arith.extui %ge3A_42 : vector<8x20000xi1> to vector<8x20000xi32>
      %reduce_sum3A = arith.constant dense<0> : vector<8xi32>
      %reduce_sum3A_43 = vector.multi_reduction <add>, %convert_element_type3A, %reduce_sum3A [1] : vector<8x20000xi32> to vector<8xi32>
      %broadcast_in_dim3A_44 = vector.shape_cast %reduce_sum3A_43 : vector<8xi32> to vector<8x1xi32>
      %ge3A_45 = arith.constant 100 : i32
      %ge3A_46 = vector.broadcast %ge3A_45 : i32 to vector<8x1xi32>
      %ge3A_47 = arith.cmpi sge, %broadcast_in_dim3A_44, %ge3A_46 : vector<8x1xi32>
      %select_n3A_48 = arith.select %ge3A_47, %select_n3A, %scan3A_16 : vector<8x1xi1>, vector<8x1xi32>
      %select_n3A_49 = arith.select %ge3A_47, %scan3A_17, %select_n3A : vector<8x1xi1>, vector<8x1xi32>
      scf.yield %select_n3A_48, %select_n3A_49 : vector<8x1xi32>, vector<8x1xi32>
    }
    %bitcast_convert_type3A = tpu.bitcast %scan3A_8#0 : vector<8x1xi32> -> vector<8x1xf32>
    %mul3A = arith.constant 0.999989986 : f32
    %mul3A_9 = vector.broadcast %mul3A : f32 to vector<8x1xf32>
    %mul3A_10 = arith.mulf %bitcast_convert_type3A, %mul3A_9 : vector<8x1xf32>
    %broadcast_in_dim3A_11 = vector.shape_cast %mul3A_10 : vector<8x1xf32> to vector<8x1xf32>
    %broadcast_in_dim3A_12 = vector.broadcast %broadcast_in_dim3A_11 : vector<8x1xf32> to vector<8x128xf32>
    %swap3A = arith.constant 0 : index
    %swap3A_13 = arith.constant 0 : index
    %swap3A_14 = vector.load %arg1[%swap3A, %swap3A_13] : memref<8x128xf32, #tpu.memory_space<vmem>>, vector<8x128xf32>
    tpu.vector_store %arg1[%swap3A, %swap3A_13], %broadcast_in_dim3A_12 {strides = array<i32>} : memref<8x128xf32, #tpu.memory_space<vmem>>, vector<8x128xf32>,
    return
  }
}

module attributes {stable_mosaic.version = 14 : i64} {
  func.func @_final_body(%arg0: memref<8x512xf32, #tpu.memory_space<vmem>>, %arg1: memref<8x512xi32, #tpu.memory_space<vmem>>, %arg2: memref<8x128x4xf32, #tpu.memory_space<vmem>>, %arg3: memref<8x2xf32, #tpu.memory_space<vmem>>, %arg4: memref<8x128xf32, #tpu.memory_space<vmem>>, %arg5: memref<8x128xi32, #tpu.memory_space<vmem>>, %arg6: memref<8x128x4xf32, #tpu.memory_space<vmem>>) attributes {dimension_semantics = [], scalar_prefetch = 0 : i64, scratch_operands = 0 : i64, tpu.core_type = #tpu.core_type<tc>} {
    %get3A = arith.constant 0 : index
    %get3A_0 = arith.constant 0 : index
    %get3A_1 = vector.load %arg0[%get3A, %get3A_0] : memref<8x512xf32, #tpu.memory_space<vmem>>, vector<8x512xf32>
    %get3A_2 = arith.constant 0 : index
    %get3A_3 = arith.constant 0 : index
    %get3A_4 = vector.load %arg1[%get3A_2, %get3A_3] : memref<8x512xi32, #tpu.memory_space<vmem>>, vector<8x512xi32>
    %get3A_5 = arith.constant 0 : index
    %get3A_6 = arith.constant 0 : index
    %get3A_7 = arith.constant 0 : index
    %get3A_8 = vector.load %arg2[%get3A_5, %get3A_6, %get3A_7] : memref<8x128x4xf32, #tpu.memory_space<vmem>>, vector<8x128x4xf32>
    %iota3A = tpu.iota {dimensions = array<i32: 1>} : vector<8x128xi32>
    %iota3A_9 = tpu.iota {dimensions = array<i32: 1>} : vector<8x128x4xi32>
    %broadcast_in_dim3A = arith.constant 0.000000e+00 : f32
    %broadcast_in_dim3A_10 = vector.broadcast %broadcast_in_dim3A : f32 to vector<8x128xf32>
    %broadcast_in_dim3A_11 = arith.constant 0 : i32
    %broadcast_in_dim3A_12 = vector.broadcast %broadcast_in_dim3A_11 : i32 to vector<8x128xi32>
    %broadcast_in_dim3A_13 = arith.constant 0.000000e+00 : f32
    %broadcast_in_dim3A_14 = vector.broadcast %broadcast_in_dim3A_13 : f32 to vector<8x128x4xf32>
    %scan3A = arith.constant 0 : i32
    %scan3A_15 = arith.constant 100 : i32
    %scan3A_16 = arith.addi %scan3A, %scan3A_15 : i32
    %scan3A_17 = arith.constant 1 : i32
    %scan3A_18:4 = scf.for %scan3A_54 = %scan3A to %scan3A_16 step %scan3A_17 iter_args(%scan3A_55 = %get3A_1, %scan3A_56 = %broadcast_in_dim3A_10, %scan3A_57 = %broadcast_in_dim3A_12, %scan3A_58 = %broadcast_in_dim3A_14) -> (vector<8x512xf32>, vector<8x128xf32>, vector<8x128xi32>, vector<8x128x4xf32>)  : i32 {
      %reduce_max3A = arith.constant dense<0xFF800000> : vector<8xf32>
      %reduce_max3A_59 = vector.multi_reduction <maximumf>, %scan3A_55, %reduce_max3A [1] : vector<8x512xf32> to vector<8xf32>
      %broadcast_in_dim3A_60 = vector.shape_cast %reduce_max3A_59 : vector<8xf32> to vector<8x1xf32>
      %ge3A = vector.broadcast %broadcast_in_dim3A_60 : vector<8x1xf32> to vector<8x512xf32>
      %ge3A_61 = arith.cmpf oge, %scan3A_55, %ge3A : vector<8x512xf32>
      %jit3A = arith.constant 1073741824 : i32
      %broadcast_in_dim3A_62 = vector.broadcast %jit3A : i32 to vector<8x512xi32>
      %select_n3A = arith.select %ge3A_61, %get3A_4, %broadcast_in_dim3A_62 : vector<8x512xi1>, vector<8x512xi32>
      %reduce_min3A = arith.constant dense<2147483647> : vector<8xi32>
      %reduce_min3A_63 = vector.multi_reduction <minsi>, %select_n3A, %reduce_min3A [1] : vector<8x512xi32> to vector<8xi32>
      %broadcast_in_dim3A_64 = vector.shape_cast %reduce_min3A_63 : vector<8xi32> to vector<8x1xi32>
      %eq3A = vector.broadcast %scan3A_54 : i32 to vector<8x128xi32>
      %eq3A_65 = arith.cmpi eq, %iota3A, %eq3A : vector<8x128xi32>
      %broadcast_in_dim3A_66 = vector.shape_cast %broadcast_in_dim3A_60 : vector<8x1xf32> to vector<8x1xf32>
      %broadcast_in_dim3A_67 = vector.broadcast %broadcast_in_dim3A_66 : vector<8x1xf32> to vector<8x128xf32>
      %select_n3A_68 = arith.select %eq3A_65, %broadcast_in_dim3A_67, %scan3A_56 : vector<8x128xi1>, vector<8x128xf32>
      %eq3A_69 = vector.broadcast %scan3A_54 : i32 to vector<8x128xi32>
      %eq3A_70 = arith.cmpi eq, %iota3A, %eq3A_69 : vector<8x128xi32>
      %jit3A_71 = arith.constant 91 : i32
      %eq3A_72 = arith.constant 0 : i32
      %eq3A_73 = arith.cmpi eq, %jit3A_71, %eq3A_72 : i32
      %jit3A_74 = arith.constant 1 : i32
      %select_n3A_75 = arith.select %eq3A_73, %jit3A_74, %jit3A_71 : i32
      %rem3A = vector.broadcast %select_n3A_75 : i32 to vector<8x1xi32>
      %rem3A_76 = arith.remsi %broadcast_in_dim3A_64, %rem3A : vector<8x1xi32>
      %ne3A = arith.constant 0 : i32
      %ne3A_77 = vector.broadcast %ne3A : i32 to vector<8x1xi32>
      %ne3A_78 = arith.cmpi ne, %rem3A_76, %ne3A_77 : vector<8x1xi32>
      %lt3A = arith.constant 0 : i32
      %lt3A_79 = vector.broadcast %lt3A : i32 to vector<8x1xi32>
      %lt3A_80 = arith.cmpi slt, %rem3A_76, %lt3A_79 : vector<8x1xi32>
      %lt3A_81 = arith.constant 0 : i32
      %lt3A_82 = arith.cmpi slt, %select_n3A_75, %lt3A_81 : i32
      %ne3A_83 = vector.broadcast %lt3A_82 : i1 to vector<8x1xi1>
      %ne3A_84 = vector.broadcast %ne3A_83 : vector<8x1xi1> to vector<8x1xi1>
      %ne3A_85 = arith.xori %lt3A_80, %ne3A_84 : vector<8x1xi1>
      %and3A = arith.andi %ne3A_85, %ne3A_78 : vector<8x1xi1>
      %add3A_86 = vector.broadcast %select_n3A_75 : i32 to vector<8x1xi32>
      %add3A_87 = arith.addi %rem3A_76, %add3A_86 : vector<8x1xi32>
      %select_n3A_88 = arith.select %and3A, %add3A_87, %rem3A_76 : vector<8x1xi1>, vector<8x1xi32>
      %broadcast_in_dim3A_89 = vector.shape_cast %select_n3A_88 : vector<8x1xi32> to vector<8x1xi32>
      %broadcast_in_dim3A_90 = vector.broadcast %broadcast_in_dim3A_89 : vector<8x1xi32> to vector<8x128xi32>
      %select_n3A_91 = arith.select %eq3A_70, %broadcast_in_dim3A_90, %scan3A_57 : vector<8x128xi1>, vector<8x128xi32>
      %jit3A_92 = arith.constant 91 : i32
      %div3A = vector.broadcast %jit3A_92 : i32 to vector<8x1xi32>
      %div3A_93 = arith.divsi %broadcast_in_dim3A_64, %div3A : vector<8x1xi32>
      %sign3A = arith.constant 0 : i32
      %sign3A_94 = vector.broadcast %sign3A : i32 to vector<8x1xi32>
      %sign3A_95 = arith.cmpi sgt, %broadcast_in_dim3A_64, %sign3A_94 : vector<8x1xi32>
      %sign3A_96 = arith.extui %sign3A_95 : vector<8x1xi1> to vector<8x1xi32>
      %sign3A_97 = arith.constant 0 : i32
      %sign3A_98 = vector.broadcast %sign3A_97 : i32 to vector<8x1xi32>
      %sign3A_99 = arith.cmpi slt, %broadcast_in_dim3A_64, %sign3A_98 : vector<8x1xi32>
      %sign3A_100 = arith.extui %sign3A_99 : vector<8x1xi1> to vector<8x1xi32>
      %sign3A_101 = arith.subi %sign3A_96, %sign3A_100 : vector<8x1xi32>
      %sign3A_102 = arith.constant 0 : i32
      %sign3A_103 = arith.cmpi sgt, %jit3A_92, %sign3A_102 : i32
      %sign3A_104 = arith.extui %sign3A_103 : i1 to i32
      %sign3A_105 = arith.constant 0 : i32
      %sign3A_106 = arith.cmpi slt, %jit3A_92, %sign3A_105 : i32
      %sign3A_107 = arith.extui %sign3A_106 : i1 to i32
      %sign3A_108 = arith.subi %sign3A_104, %sign3A_107 : i32
      %ne3A_109 = vector.broadcast %sign3A_108 : i32 to vector<8x1xi32>
      %ne3A_110 = arith.cmpi ne, %sign3A_101, %ne3A_109 : vector<8x1xi32>
      %rem3A_111 = vector.broadcast %jit3A_92 : i32 to vector<8x1xi32>
      %rem3A_112 = arith.remsi %broadcast_in_dim3A_64, %rem3A_111 : vector<8x1xi32>
      %ne3A_113 = arith.constant 0 : i32
      %ne3A_114 = vector.broadcast %ne3A_113 : i32 to vector<8x1xi32>
      %ne3A_115 = arith.cmpi ne, %rem3A_112, %ne3A_114 : vector<8x1xi32>
      %and3A_116 = arith.andi %ne3A_110, %ne3A_115 : vector<8x1xi1>
      %sub3A_117 = arith.constant 1 : i32
      %sub3A_118 = vector.broadcast %sub3A_117 : i32 to vector<8x1xi32>
      %sub3A_119 = arith.subi %div3A_93, %sub3A_118 : vector<8x1xi32>
      %select_n3A_120 = arith.select %and3A_116, %sub3A_119, %div3A_93 : vector<8x1xi1>, vector<8x1xi32>
      %broadcast_in_dim3A_121 = vector.shape_cast %select_n3A_120 : vector<8x1xi32> to vector<8x1x1xi32>
      %eq3A_122 = vector.broadcast %broadcast_in_dim3A_121 : vector<8x1x1xi32> to vector<8x128x4xi32>
      %eq3A_123 = arith.cmpi eq, %iota3A_9, %eq3A_122 : vector<8x128x4xi32>
      %jit3A_124 = arith.constant 0.000000e+00 : f32
      %broadcast_in_dim3A_125 = vector.broadcast %jit3A_124 : f32 to vector<8x128x4xf32>
      %select_n3A_126 = arith.select %eq3A_123, %get3A_8, %broadcast_in_dim3A_125 : vector<8x128x4xi1>, vector<8x128x4xf32>
      %reduce_sum3A = arith.constant dense<0.000000e+00> : vector<8x4xf32>
      %reduce_sum3A_127 = vector.multi_reduction <add>, %select_n3A_126, %reduce_sum3A [1] : vector<8x128x4xf32> to vector<8x4xf32>
      %broadcast_in_dim3A_128 = vector.shape_cast %reduce_sum3A_127 : vector<8x4xf32> to vector<8x1x4xf32>
      %eq3A_129 = vector.broadcast %scan3A_54 : i32 to vector<8x128x4xi32>
      %eq3A_130 = arith.cmpi eq, %iota3A_9, %eq3A_129 : vector<8x128x4xi32>
      %broadcast_in_dim3A_131 = vector.shape_cast %broadcast_in_dim3A_128 : vector<8x1x4xf32> to vector<8x1x4xf32>
      %broadcast_in_dim3A_132 = vector.broadcast %broadcast_in_dim3A_131 : vector<8x1x4xf32> to vector<8x128x4xf32>
      %select_n3A_133 = arith.select %eq3A_130, %broadcast_in_dim3A_132, %scan3A_58 : vector<8x128x4xi1>, vector<8x128x4xf32>
      %eq3A_134 = vector.broadcast %broadcast_in_dim3A_64 : vector<8x1xi32> to vector<8x512xi32>
      %eq3A_135 = arith.cmpi eq, %get3A_4, %eq3A_134 : vector<8x512xi32>
      %jit3A_136 = arith.constant -1.000000e+00 : f32
      %broadcast_in_dim3A_137 = vector.broadcast %jit3A_136 : f32 to vector<8x512xf32>
      %select_n3A_138 = arith.select %eq3A_135, %broadcast_in_dim3A_137, %scan3A_55 : vector<8x512xi1>, vector<8x512xf32>
      scf.yield %select_n3A_138, %select_n3A_68, %select_n3A_91, %select_n3A_133 : vector<8x512xf32>, vector<8x128xf32>, vector<8x128xi32>, vector<8x128x4xf32>
    }
    %scan3A_19 = arith.constant 100 : i32
    %slice3A = vector.extract_strided_slice %scan3A_18#3 {offsets = [0, 0, 0], sizes = [8, 128, 1], strides = [1, 1, 1]} : vector<8x128x4xf32> to vector<8x128x1xf32>
    %slice3A_20 = vector.extract_strided_slice %scan3A_18#3 {offsets = [0, 0, 1], sizes = [8, 128, 1], strides = [1, 1, 1]} : vector<8x128x4xf32> to vector<8x128x1xf32>
    %slice3A_21 = vector.extract_strided_slice %scan3A_18#3 {offsets = [0, 0, 2], sizes = [8, 128, 1], strides = [1, 1, 1]} : vector<8x128x4xf32> to vector<8x128x1xf32>
    %slice3A_22 = vector.extract_strided_slice %scan3A_18#3 {offsets = [0, 0, 3], sizes = [8, 128, 1], strides = [1, 1, 1]} : vector<8x128x4xf32> to vector<8x128x1xf32>
    %mul3A = arith.constant 5.000000e-01 : f32
    %mul3A_23 = vector.broadcast %mul3A : f32 to vector<8x128x1xf32>
    %mul3A_24 = arith.mulf %mul3A_23, %slice3A_21 : vector<8x128x1xf32>
    %sub3A = arith.subf %slice3A, %mul3A_24 : vector<8x128x1xf32>
    %mul3A_25 = arith.constant 5.000000e-01 : f32
    %mul3A_26 = vector.broadcast %mul3A_25 : f32 to vector<8x128x1xf32>
    %mul3A_27 = arith.mulf %mul3A_26, %slice3A_22 : vector<8x128x1xf32>
    %sub3A_28 = arith.subf %slice3A_20, %mul3A_27 : vector<8x128x1xf32>
    %mul3A_29 = arith.constant 5.000000e-01 : f32
    %mul3A_30 = vector.broadcast %mul3A_29 : f32 to vector<8x128x1xf32>
    %mul3A_31 = arith.mulf %mul3A_30, %slice3A_21 : vector<8x128x1xf32>
    %add3A = arith.addf %slice3A, %mul3A_31 : vector<8x128x1xf32>
    %mul3A_32 = arith.constant 5.000000e-01 : f32
    %mul3A_33 = vector.broadcast %mul3A_32 : f32 to vector<8x128x1xf32>
    %mul3A_34 = arith.mulf %mul3A_33, %slice3A_22 : vector<8x128x1xf32>
    %add3A_35 = arith.addf %slice3A_20, %mul3A_34 : vector<8x128x1xf32>
    %concatenate3A = tpu.concatenate %sub3A, %sub3A_28, %add3A, %add3A_35 in 2 : vector<8x128x1xf32>, vector<8x128x1xf32>, vector<8x128x1xf32>, vector<8x128x1xf32> -> vector<8x128x4xf32>
    %get3A_36 = arith.constant 0 : index
    %get3A_37 = arith.constant 0 : index
    %get3A_38 = vector.load %arg3[%get3A_36, %get3A_37] : memref<8x2xf32, #tpu.memory_space<vmem>>, vector<8x2xf32>
    %slice3A_39 = vector.extract_strided_slice %get3A_38 {offsets = [0, 1], sizes = [8, 1], strides = [1, 1]} : vector<8x2xf32> to vector<8x1xf32>
    %slice3A_40 = vector.extract_strided_slice %get3A_38 {offsets = [0, 0], sizes = [8, 1], strides = [1, 1]} : vector<8x2xf32> to vector<8x1xf32>
    %concatenate3A_41 = tpu.concatenate %slice3A_39, %slice3A_40, %slice3A_39, %slice3A_40 in 1 : vector<8x1xf32>, vector<8x1xf32>, vector<8x1xf32>, vector<8x1xf32> -> vector<8x4xf32>
    %broadcast_in_dim3A_42 = vector.shape_cast %concatenate3A_41 : vector<8x4xf32> to vector<8x1x4xf32>
    %swap3A = arith.constant 0 : index
    %swap3A_43 = arith.constant 0 : index
    %swap3A_44 = vector.load %arg4[%swap3A, %swap3A_43] : memref<8x128xf32, #tpu.memory_space<vmem>>, vector<8x128xf32>
    tpu.vector_store %arg4[%swap3A, %swap3A_43], %scan3A_18#1 {strides = array<i32>} : memref<8x128xf32, #tpu.memory_space<vmem>>, vector<8x128xf32>,
    %swap3A_45 = arith.constant 0 : index
    %swap3A_46 = arith.constant 0 : index
    %swap3A_47 = vector.load %arg5[%swap3A_45, %swap3A_46] : memref<8x128xi32, #tpu.memory_space<vmem>>, vector<8x128xi32>
    tpu.vector_store %arg5[%swap3A_45, %swap3A_46], %scan3A_18#2 {strides = array<i32>} : memref<8x128xi32, #tpu.memory_space<vmem>>, vector<8x128xi32>,
    %mul3A_48 = vector.broadcast %broadcast_in_dim3A_42 : vector<8x1x4xf32> to vector<8x128x4xf32>
    %mul3A_49 = arith.mulf %concatenate3A, %mul3A_48 : vector<8x128x4xf32>
    %swap3A_50 = arith.constant 0 : index
    %swap3A_51 = arith.constant 0 : index
    %swap3A_52 = arith.constant 0 : index
    %swap3A_53 = vector.load %arg6[%swap3A_50, %swap3A_51, %swap3A_52] : memref<8x128x4xf32, #tpu.memory_space<vmem>>, vector<8x128x4xf32>
    tpu.vector_store %arg6[%swap3A_50, %swap3A_51, %swap3A_52], %mul3A_49 {strides = array<i32>} : memref<8x128x4xf32, #tpu.memory_space<vmem>>, vector<8x128x4xf32>,
    return
  }
}

</mosaic_0001>

<sc_bundles>
// kernel: kernel.6.cloned.1.call-start
scs
__scs_entry_jumppad:
0x0: {  	(pc) =	sbr.rel $0x88, $3  }
0x1: {  	(tag) =	ssettag $0x0;
	lr =	simm.s32 $0x1  }
0x2: {  	[smem:$0x3F9E] =	sst lr;
	_ =	strace $0xD0000000  }
0x3: {  	_ = 	snop  }
0x4: {  	_ = 	snop  }
0x5: {  	_ = 	snop  }
0x6: {  	_ = 	snop  }
0x7: {  	_ = 	snop  }
__scs_overlays_trampoline_lowered:
0x8: {  	[smem:$0x3FAD] =	sst s0  }
0x9: {  	[smem:$0x3FAE] =	sst s1  }
0xa: {  	[smem:$0x3FAF] =	sst s2  }
0xb: {  	[smem:$0x3FB0] =	sst s3  }
0xc: {  	[smem:$0x3FB1] =	sst s4  }
0xd: {  	[smem:$0x3FB2] =	sst s5  }
0xe: {  	[smem:$0x3FB3] =	sst s6  }
0xf: {  	[smem:$0x3FB4] =	sst s7  }
0x10: {  	[smem:$0x3FB5] =	sst s8  }
0x11: {  	[smem:$0x3FB6] =	sst s9;
	s0 =	simm.s32 @!p0 $0x0  }
0x12: {  	s1 =	sld [smem:$0x3F9C];
	s0 =	simm.s32 @p0 $0x1  }
0x13: {  	[smem:$0x3FB7] =	sst s0;
	s0 =	simm.s32 @!p1 $0x0  }
0x14: {  	s2 =	sld [smem:$0x3F9B];
	s0 =	simm.s32 @p1 $0x1  }
0x15: {  	[smem:$0x3FB8] =	sst s0;
	s0 =	simm.s32 @!p2 $0x0  }
0x16: {  	s3 =	sld [smem:$0x3FDB];
	s0 =	simm.s32 @p2 $0x1  }
0x17: {  	s4 =	simm.s32 $0x1BF5;
	[smem:$0x3FBA] =	sst s0  }
0x18: {  	s0 =	sld [smem:$0x3F9D];
	_ =	swait.ge [sflag:s4], $0x0  }
0x19: {  	s7 =	sld [smem:$0x3F9E]  }
0x1a: {  	s8 =	sadd.s32 $0xFFFFE003, lr  }
0x1b: {  	s9 =	sadd.s32 $0xFFFFFEF7, lr;
	s5 =	simm.s32 $0xFFFFFFFF;
	p2 =	slt.u32 s8, $0xFFFFF086  }
0x1c: {  	p1 =	slt.u32 s9, $0xF7A;
	s5 =	simm.s32 @!p2 $0x0  }
0x1d: {  	s5 =	simm.s32 @p1 $0x1;
	p0 =	seq.s32 s7, s2  }
0x1e: {  	s7 =	smul.u32 @!p0 $0xF7A, s2;
	p2 =	seq.s32 @!p0 s5, $0x0  }
0x1f: {  	s9 =	smul.u32 $0xF7A, s1;
	s8 =	simm.s32 @!p0 $0x1BF5;
	p2 =	por !p2, p0  }
0x20: {  	[sflag:s8] =	ssyncset.s32 @!p0 $0xFFFFF086;
	s6 =	sadd.s32 @!p0 s3, s7;
	s7 =	simm.s32 @!p0 $0x108  }
0x21: {  	s3 =	sadd.s32 s3, s9;
	s6 =	sadd.s32 @!p0 $0x88, s6;
	s7 =	simm.s32 @p2 $0x1082  }
0x22: {  	[simem:s7], [sflag:s8] =	dma.local @!p0 [hbm:s6], $0xF7A  }
0x23: {  	s9 =	sor.u32 $0xD0000000, s2;
	s6 =	simm.s32 $0x108;
	_ =	swait.ge @!p0 [sflag:s8], $0x0  }
0x24: {  	s3 =	sadd.s32 $0x88, s3;
	s6 =	simm.s32 @!p1 $0x1082;
	[sflag:s4] =	ssyncset.s32 $0xFFFFF086  }
0x25: {  	[simem:s6], [sflag:s4] =	dma.local [hbm:s3], $0xF7A  }
0x26: {  	[smem:$0x3F9E] =	sst s1;
	(tag) =	ssettag s2;
	_ =	strace s9  }
0x27: {  	s1 =	sld [smem:$0x3FAE]  }
0x28: {  	s2 =	sld [smem:$0x3FAF]  }
0x29: {  	s4 =	sld [smem:$0x3FB1]  }
0x2a: {  	p0 =	seq.s32 s5, $0x0;
	s5 =	sld [smem:$0x3FB2]  }
0x2b: {  	s6 =	sld [smem:$0x3FB3]  }
0x2c: {  	s7 =	sld [smem:$0x3FB4]  }
0x2d: {  	s3 =	simm.s32 $0x108;
	s8 =	sld [smem:$0x3FB5]  }
0x2e: {  	s3 =	simm.s32 @!p0 $0x1082;
	s9 =	sld [smem:$0x3FB6]  }
0x2f: {  	lr =	sadd.s32 s0, s3;
	s0 =	sld [smem:$0x3FAD]  }
0x30: {  	s3 =	sld [smem:$0x3FB0]  }
0x31: {  	[smem:$0x3FB9] =	sst s10  }
0x32: {  	s10 =	sld [smem:$0x3FB7];
	_ =	sdelay $0x3  }
0x33: {  	p0 =	seq.s32 s10, $0x1;
	s10 =	sld [smem:$0x3FB9];
	_ =	sdelay $0x3  }
0x34: {  	[smem:$0x3FB9] =	sst s10  }
0x35: {  	s10 =	sld [smem:$0x3FB8];
	_ =	sdelay $0x3  }
0x36: {  	p1 =	seq.s32 s10, $0x1;
	s10 =	sld [smem:$0x3FB9];
	_ =	sdelay $0x3  }
0x37: {  	[smem:$0x3FB9] =	sst s10  }
0x38: {  	s10 =	sld [smem:$0x3FBA]  }
0x39: {  	_ = 	snop;
	(pc) =	sbr.ind lr, $3  }
0x3a: {  	_ = 	snop  }
0x3b: {  	_ = 	snop  }
0x3c: {  	p2 =	seq.s32 s10, $0x1;
	s10 =	sld [smem:$0x3FB9]  }
0x3d: {  	_ =	shalt  }
0x3e: {  	_ =	shalt  }
0x3f: {  	_ =	shalt  }
0x40: {  	_ =	shalt  }
0x41: {  	_ =	shalt  }
0x42: {  	_ =	shalt  }
0x43: {  	_ =	shalt  }
0x44: {  	_ =	shalt  }
0x45: {  	_ =	shalt  }
0x46: {  	_ =	shalt  }
0x47: {  	_ =	shalt  }
0x48: {  	_ =	shalt  }
0x49: {  	_ =	shalt  }
0x4a: {  	_ =	shalt  }
0x4b: {  	_ =	shalt  }
0x4c: {  	_ =	shalt  }
0x4d: {  	_ =	shalt  }
0x4e: {  	_ =	shalt  }
0x4f: {  	_ =	shalt  }
0x50: {  	_ =	shalt  }
0x51: {  	_ =	shalt  }
0x52: {  	_ =	shalt  }
0x53: {  	_ =	shalt  }
0x54: {  	_ =	shalt  }
0x55: {  	_ =	shalt  }
0x56: {  	_ =	shalt  }
0x57: {  	_ =	shalt  }
0x58: {  	_ =	shalt  }
0x59: {  	_ =	shalt  }
0x5a: {  	_ =	shalt  }
0x5b: {  	_ =	shalt  }
0x5c: {  	_ =	shalt  }
0x5d: {  	_ =	shalt  }
0x5e: {  	_ =	shalt  }
0x5f: {  	_ =	shalt  }
0x60: {  	_ =	shalt  }
0x61: {  	_ =	shalt  }
0x62: {  	_ =	shalt  }
0x63: {  	_ =	shalt  }
0x64: {  	_ =	shalt  }
0x65: {  	_ =	shalt  }
0x66: {  	_ =	shalt  }
0x67: {  	_ =	shalt  }
0x68: {  	_ =	shalt  }
0x69: {  	_ =	shalt  }
0x6a: {  	_ =	shalt  }
0x6b: {  	_ =	shalt  }
0x6c: {  	_ =	shalt  }
0x6d: {  	_ =	shalt  }
0x6e: {  	_ =	shalt  }
0x6f: {  	_ =	shalt  }
0x70: {  	_ =	shalt  }
0x71: {  	_ =	shalt  }
0x72: {  	_ =	shalt  }
0x73: {  	_ =	shalt  }
0x74: {  	_ =	shalt  }
0x75: {  	_ =	shalt  }
0x76: {  	_ =	shalt  }
0x77: {  	_ =	shalt  }
0x78: {  	_ =	shalt  }
0x79: {  	_ =	shalt  }
0x7a: {  	_ =	shalt  }
0x7b: {  	_ =	shalt  }
0x7c: {  	_ =	shalt  }
0x7d: {  	_ =	shalt  }
0x7e: {  	_ =	shalt  }
0x7f: {  	_ =	shalt  }
0x80: {  	_ =	shalt  }
0x81: {  	_ =	shalt  }
0x82: {  	_ =	shalt  }
0x83: {  	_ =	shalt  }
0x84: {  	_ =	shalt  }
0x85: {  	_ =	shalt  }
0x86: {  	_ =	shalt  }
0x87: {  	_ =	shalt  }
.Lfunc_end0:
.L_simem_size_0:
called_computation_lowered:
.L_overlay_start_0:
0x88: {  	s2 =	sld [smem:$0x3FD9]  }
0x89: {  	s3 =	sld [smem:$0x3FFE];
	_ =	sdelay $0x1  }
0x8a: {  	s1 =	srdreg.scid  }
0x8b: {  	s0 =	sand.u32 $0x1, s1  }
0x8c: {  	s14 =	sshll.u32 s0, $0xA;
	s2 =	sadd.s32 s3, s2  }
0x8d: {  	s2 =	sadd.s32 s2, s14  }
0x8e: {  	[smem:$0x3FC5] =	sst s2  }
0x8f: {  	_ = 	snop  }
0x90: {  	s2 =	sld [smem:$0x3FD0];
	_ =	sdelay $0x2  }
0x91: {  	s15 =	simm.s32 $0xA;
	s4 =	simm.s32 $0x10  }
0x92: {  	[smem:s4], [sflag:s15] =	dma.local [hbm:s2], $0x1  }
0x93: {  	_ =	swait.eq [sflag:s15], $0x1  }
0x94: {  	[sflag:s15] =	ssyncset.done $0x0  }
0x95: {  	s16 =	sld [smem:$0x11];
	[sflag:s15] =	ssyncadd.s32 $0xFFFFFFFF  }
0x96: {  	s17 =	sld [smem:$0x12];
	(tm) =	ssettm $0x1  }
0x97: {  	s18 =	sld [smem:$0x3FFB];
	_ =	sdelay $0x3  }
0x98: {  	_ =	strace s18  }
0x99: {  	s4 =	sld [smem:$0x3FFC];
	_ =	sdelay $0x3  }
0x9a: {  	_ =	strace s4  }
0x9b: {  	s4 =	sld [smem:$0x3FFD];
	_ =	sdelay $0x3  }
0x9c: {  	_ =	strace s4  }
0x9d: {  	_ =	strace $0x8FFFFFFF  }
0x9e: {  	s19 =	sld [smem:$0x3FDB];
	_ =	sdelay $0x1  }
0x9f: {  	s5 =	simm.s32 $_scs_section_size  }
0xa0: {  	s6 =	simm.s32 $_size__tile_overlayer_lowered;
	s7 =	simm.s32 $_tile_overlayer_lowered  }
0xa1: {  	s22 =	simm.s32 $0x1BFF;
	s21 =	sshll.u32 s7, $0x1;
	s4 =	sadd.s32 s5, s19  }
0xa2: {  	s8 =	simm.s32 $0x0;
	s20 =	sshll.u32 s6, $0x1;
	s6 =	sadd.s32 s21, s4  }
0xa3: {  	[timem:s8], [sflag:s22] =	dma.local [hbm:s6], s20  }
0xa4: {  	_ =	swait.ge [sflag:s22], s20  }
0xa5: {  	s5 =	ssub.s32 $0x0, s20;
	[sflag:s22] =	ssyncset.done $0x0  }
0xa6: {  	[sflag:s22] =	ssyncadd.s32 s5;
	_ =	sdelay $0x1  }
0xa7: {  	s23 =	simm.s32 $0x1B8B  }
0xa8: {  	_ =	swait.ge [sflag:s23], $0x1  }
0xa9: {  	[sflag:s23] =	ssyncset.done $0x0  }
0xaa: {  	s25 =	simm.s32 $0x1B8E;
	s24 =	sld [smem:$0x3FFE];
	[sflag:s23] =	ssyncadd.s32 $0xFFFFFFFF  }
0xab: {  	s26 =	simm.s32 $execute0_lowered;
	[smem:$0x3FD2] =	sst s25  }
0xac: {  	s6 =	sshll.u32 s26, $0x1;
	_ =	strace $0x80000046;
	[dreg:$0x1] =	wrdreg $0xFFFFFFFF  }
0xad: {  	s28 =	simm.s32 $_size_execute0_lowered;
	s4 =	sadd.s32 s4, s6;
	[dreg:$0x0] =	wrdreg $0x0  }
0xae: {  	s6 =	sshll.u32 s28, $0x1;
	[dreg:$0x2] =	wrdreg s4  }
0xaf: {  	[dreg:$0x3] =	wrdreg s6  }
0xb0: {  	[dreg:$0x4] =	wrdreg $0xC0  }
0xb1: {  	_ =	task [dreg:s8], $0x5FFFF  }
0xb2: {  	[dreg:$0x1] =	wrdreg $0xFFFFFFFF  }
0xb3: {  	[dreg:$0x0] =	wrdreg $0x60  }
0xb4: {  	[dreg:$0x2] =	wrdreg s24  }
0xb5: {  	[dreg:$0x3] =	wrdreg s16  }
0xb6: {  	[dreg:$0x4] =	wrdreg s17  }
0xb7: {  	[dreg:$0x5] =	wrdreg $0x9  }
0xb8: {  	_ =	task.clear_ibuf [dreg:s8], $0x6FFFF;
	_ =	strace $0x90000046  }
0xb9: {  	s29 =	simm.s32 $0x9;
	_ =	strace $0x80000048  }
0xba: {  	_ =	swait.ge [sflag:s29], $0x1  }
0xbb: {  	[sflag:s29] =	ssyncadd.s32 $0xFFFFFFFF  }
0xbc: {  	_ =	strace $0x90000048  }
0xbd: {  	_ =	sfence  }
0xbe: {  	s30 =	sld [smem:$0x0];
	_ =	sdelay $0x2  }
0xbf: {  	s31 =	sshll.u32 s1, $0xD;
	s1 =	sshrl.u32 s1, $0x2  }
0xc0: {  	s3 =	sand.u32 $0x4000, s31;
	s1 =	sadd.s32 s1, s30  }
0xc1: {  	s0 =	sor.u32 s3, s0;
	s1 =	sshll.u32 s1, $0x11  }
0xc2: {  	s0 =	sor.u32 s1, s0  }
0xc3: {  	s0 =	sadd.s32 $0x8F2B, s0  }
0xc4: {  	[sflag:s0] =	ssyncadd.remote.s32 $0x1  }
0xc5: {  	_ =	sfence.sel $0xFFFF  }
0xc6: {  	[dreg:$0x0] =	wrdreg $0xFFFFFFFF;
	(pc) =	sbr.abs _section_cstart, $3  }
0xc7: {  	[dreg:$0x1] =	wrdreg $0xFFFFFFFF  }
0xc8: {  	_ =	task.clear_ibuf [dreg:s8], $0x2FFFF;
	_ =	strace $0x9FFFFFFF  }
0xc9: {  	(tm) =	ssettm $0x7FFFFFFF  }
tec
execute0_lowered:
.L_overlay_start_1:
0x0: {  	(tag) =	ssettag $0x1  }
0x1: {  	s1 =	stileid.u32  }
0x2: {  	p0 =	sgt.u32 s1, $0x3  }
.Ltmp0:
0x3: {  	s7 =	rddreg [dreg:$0x0];
	(pc) =	sbr.rel @p0 .LBB2_7-.Ltmp0, $4  }
0x4: {  	s5 =	rddreg [dreg:$0x1]  }
0x5: {  	s6 =	rddreg [dreg:$0x2];
	s2 =	simm.s32 $0x0  }
0x6: {  	[smem:$0x7FF] =	sst s2  }
0x7: {  	s0 =	rddreg [dreg:$0x3];
	_ =	strace $0x80000047  }
0x8: {  	s3 =	srdreg.scid  }
0x9: {  	s26 =	sshll.u32 s1, $0x1;
	s10 =	sadd.s32 $0x600, s7;
	s4 =	sadd.s32 $0x1DA200, s7  }
0xa: {  	s15 =	simm.s32 $0x4EA0;
	s16 =	simm.s32 $0x4F20;
	s17 =	simm.s32 $0x1  }
0xb: {  	s18 =	simm.s32 $0x7F20;
	s19 =	simm.s32 $0x8730;
	s8 =	sand.u32 $0x1, s3  }
0xc: {  	s20 =	simm.s32 $0x8930;
	s21 =	simm.s32 $0x0;
	s9 =	sor.u32 s8, s26  }
0xd: {  	s3 =	sadd.s32 $0x5600, s7;
	s29 =	ssub.s32 $0x2, s8;
	s11 =	sshll.u32 s9, $0x6  }
0xe: {  	s13 =	sshll.u32 s9, $0x8;
	s14 =	smul.u32 $0x4E20, s9;
	s28 =	sshll.u32 s9, $0x1  }
0xf: {  	v1 =	vimm.s32 $0xFFFFFFFF;
	s30 =	sshrl.u32 s29, $0x1;
	s12 =	sadd.s32 s11, s7;
	s13 =	sadd.s32 s13, s7  }
0x10: {  	v2 =	vimm.s32 $0x0;
	v3 =	vlaneseq.u32;
	v4 =	vimm.f32 $-1.000000000e+00;
	s5 =	sadd.s32 s5, s28;
	s6 =	sadd.s32 s6, s11;
	s11 =	ssub.s32 s29, s30  }
0x11: {  	v5 =	vimm.s32 $0x40000000;
	vm0 =	vmmov $0xfff;
	vm1 =	vmmov $0x7ff;
	s7 =	sadd.s32 $0x228C00, s12;
	s31 =	sshrl.u32 s14, $0x3;
	s8 =	sadd.s32 $0x228400, s13  }
0x12: {  	v6 =	vor.u32 $0x10, v3;
	v7 =	vor.u32 $0x20, v3;
	v0 =	vmov s14;
	s12 =	simm.s32 $0x8720;
	s13 =	simm.s32 $0x4E20;
	s14 =	simm.s32 $0x80  }
0x13: {  	v8 =	vor.u32 $0x30, v3;
	v9 =	vor.u32 $0x40, v3;
	v10 =	vor.u32 $0x50, v3;
	s9 =	sadd.s32 s10, s31;
	s10 =	smax.u32 s11, $0x1;
	s11 =	simm.s32 $0x2  }
.LBB2_2:
0x14: {  	s22 =	simm.s32 $0x0  }
0x15: {  	[tilespmem:s22], [sflag:$0x2] =	stream.linear.gather [hbm4b:s9+s22], $0x4E20, $0x38;
	[tilespmem:$0x8B30] =	vst v63  }
0x16: {  	_ =	swait.ge [sflag:s11], $0x4E20  }
0x17: {  	[sflag:s11] =	ssyncset.done $0x0  }
0x18: {  	[sflag:s11] =	ssyncadd.s32 $0xFFFFB1E0  }
0x19: {  	[tilespmem:s12], [sflag:$0x2] =	stream.linear.gather [hbm4b:s5+s22], $0x10, $0x38;
	[tilespmem:$0x8B30] =	vst v63  }
0x1a: {  	_ =	swait.ge [sflag:s11], $0x10  }
0x1b: {  	[sflag:s11] =	ssyncset.done $0x0  }
0x1c: {  	[sflag:s11] =	ssyncadd.s32 $0xFFFFFFF0  }
0x1d: {  	[tilespmem:$0x4E20] =	vst v1  }
0x1e: {  	[tilespmem:$0x4E30] =	vst v1  }
0x1f: {  	[tilespmem:$0x4E40] =	vst v1  }
0x20: {  	[tilespmem:$0x4E50] =	vst v1  }
0x21: {  	[tilespmem:$0x4E60] =	vst v1  }
0x22: {  	[tilespmem:$0x4E70] =	vst v1  }
0x23: {  	[tilespmem:$0x4E80] =	vst v1  }
0x24: {  	v11 =	vld [tilespmem:$0x8720];
	[tilespmem:$0x4E90] =	vst v1  }
0x25: {  	s23 =	simm.s32 $0x10;
	v12 =	vimm.s32 $0x0;
	v13 =	vimm.s32 $0x0;
	s24 =	simm.s32 $0x0;
	v14 =	vld [tilespmem:s22+$0x0]  }
.LBB2_3:
0x26: {  	p0 =	sne.s32 s23, $0x4E10;
	_ =	sdelay $0x3  }
0x27: {  	vm2 =	vge.f32 v14, v11  }
0x28: {  	v14 =	vsel vm2, $0x1, v2;
	v15 =	vmpcnt.ones.xlane vm2  }
0x29: {  	(xrf0) =	vadd.scan.msk.s32 $0xffff, v14  }
0x2a: {  	v12 =	vadd.s32 v12, v15;
	_ =	sdelay $0x4  }
0x2b: {  	v14, _, _ =	vpop (xrf0)  }
0x2c: {  	v14 =	vadd.s32 v14, v13;
	v13 =	vmov v12  }
0x2d: {  	v14 =	vadd.s32 $0xFFFFFFFF, v14  }
0x2e: {  	vm3 =	vlt.s32 v14, $0x80  }
0x2f: {  	vm2 =	vmand vm2, vm3  }
0x30: {  	v14 =	vnsel vm2, $0x0, v14;
	_ =	sdelay $0x1  }
.Ltmp1:
0x31: {  	(pc) =	sbr.rel @p0 .LBB2_3-.Ltmp1, $4  }
0x32: {  	_ = 	snop  }
0x33: {  	v15 =	vor.u32 s22, v3;
	s22 =	smov.u32 s23  }
0x34: {  	s24 =	sadd.s32 $0x10, s24;
	[tilespmem:v14+s13+$0x0] =	vst.idx.msk vm2, v15  }
0x35: {  	s23 =	sadd.s32 $0x10, s23;
	v14 =	vld [tilespmem:s24+$0x0]  }
0x36: {  	_ =	sdelay $0x3  }
0x37: {  	vm2 =	vge.f32 v14, v11  }
0x38: {  	v14 =	vsel vm2, $0x1, v2  }
0x39: {  	(xrf0) =	vadd.scan.msk.s32 $0xffff, v14;
	_ =	sdelay $0x5  }
0x3a: {  	v14, _, _ =	vpop (xrf0)  }
0x3b: {  	v13 =	vadd.s32 v14, v13  }
0x3c: {  	v13 =	vadd.s32 $0xFFFFFFFF, v13  }
0x3d: {  	vm3 =	vlt.s32 v13, $0x80  }
0x3e: {  	vm3 =	vmand vm2, vm3  }
0x3f: {  	v13 =	vnsel vm3, $0x0, v13;
	_ =	sdelay $0x3  }
0x40: {  	v14 =	vor.u32 s22, v3  }
0x41: {  	[tilespmem:v13+s13+$0x0] =	vst.idx.msk vm3, v14  }
0x42: {  	v13 =	vld [tilespmem:$0x4E20]  }
0x43: {  	v14 =	vld [tilespmem:$0x4E30]  }
0x44: {  	v15 =	vld [tilespmem:$0x4E40]  }
0x45: {  	v16 =	vld [tilespmem:$0x4E50]  }
0x46: {  	v17 =	vld [tilespmem:$0x4E60]  }
0x47: {  	v18 =	vadd.s32 v0, v13;
	vm3 =	vlt.s32 v13, $0x0;
	v13 =	vld [tilespmem:$0x4E70]  }
0x48: {  	v19 =	vadd.s32 v0, v14;
	v18 =	vsel vm3, $0x0, v18;
	vm3 =	vlt.s32 v14, $0x0;
	v14 =	vld [tilespmem:$0x4E80]  }
0x49: {  	[tilespmem:$0x4EA0] =	vst v18;
	v18 =	vsel vm3, $0x0, v19;
	v19 =	vadd.s32 v0, v15;
	vm3 =	vlt.s32 v15, $0x0;
	v15 =	vld [tilespmem:$0x4E90]  }
0x4a: {  	[tilespmem:$0x4EB0] =	vst v18;
	v18 =	vsel vm3, $0x0, v19;
	v19 =	vadd.s32 v0, v16;
	vm3 =	vlt.s32 v16, $0x0  }
0x4b: {  	[tilespmem:$0x4EC0] =	vst v18;
	v16 =	vsel vm3, $0x0, v19;
	v18 =	vadd.s32 v0, v17;
	vm3 =	vlt.s32 v17, $0x0  }
0x4c: {  	[tilespmem:$0x4ED0] =	vst v16;
	v16 =	vsel vm3, $0x0, v18;
	v17 =	vadd.s32 v0, v13;
	vm3 =	vlt.s32 v13, $0x0  }
0x4d: {  	[tilespmem:$0x4EE0] =	vst v16;
	v13 =	vsel vm3, $0x0, v17;
	v16 =	vadd.s32 v0, v14;
	vm3 =	vlt.s32 v14, $0x0  }
0x4e: {  	[tilespmem:$0x4EF0] =	vst v13;
	v13 =	vsel vm3, $0x0, v16;
	v14 =	vadd.s32 v0, v15;
	vm3 =	vlt.s32 v15, $0x0  }
0x4f: {  	[tilespmem:$0x4F00] =	vst v13;
	v13 =	vsel vm3, $0x0, v14  }
0x50: {  	[tilespmem:$0x4F10] =	vst v13  }
0x51: {  	[tilespmem:s16], [sflag:$0x1] =	stream.indirect.gather [hbm4b:s3+s14], $0x60, s15, s14, $0xb8;
	[tilespmem:$0x8B30] =	vst v63  }
0x52: {  	_ =	swait.ge [sflag:s17], $0x3000  }
0x53: {  	[sflag:s17] =	ssyncset.done $0x0  }
0x54: {  	[sflag:s17] =	ssyncadd.s32 $0xFFFFD000  }
0x55: {  	[tilespmem:s18], [sflag:$0x1] =	stream.indirect.gather [hbm4b:s4+s14], $0x10, s15, s14, $0xb8;
	[tilespmem:$0x8B30] =	vst v63  }
0x56: {  	_ =	swait.ge [sflag:s17], $0x800  }
0x57: {  	[sflag:s17] =	ssyncset.done $0x0  }
0x58: {  	[sflag:s17] =	ssyncadd.s32 $0xFFFFF800  }
0x59: {  	[tilespmem:$0x8730] =	vst v4  }
0x5a: {  	[tilespmem:$0x8930] =	vst v5  }
0x5b: {  	[tilespmem:$0x8740] =	vst v4  }
0x5c: {  	[tilespmem:$0x8940] =	vst v5  }
0x5d: {  	[tilespmem:$0x8750] =	vst v4  }
0x5e: {  	[tilespmem:$0x8950] =	vst v5  }
0x5f: {  	[tilespmem:$0x8760] =	vst v4  }
0x60: {  	[tilespmem:$0x8960] =	vst v5  }
0x61: {  	[tilespmem:$0x8770] =	vst v4  }
0x62: {  	[tilespmem:$0x8970] =	vst v5  }
0x63: {  	[tilespmem:$0x8780] =	vst v4  }
0x64: {  	[tilespmem:$0x8980] =	vst v5  }
0x65: {  	[tilespmem:$0x8790] =	vst v4  }
0x66: {  	[tilespmem:$0x8990] =	vst v5  }
0x67: {  	[tilespmem:$0x87A0] =	vst v4  }
0x68: {  	[tilespmem:$0x89A0] =	vst v5  }
0x69: {  	[tilespmem:$0x87B0] =	vst v4  }
0x6a: {  	[tilespmem:$0x89B0] =	vst v5  }
0x6b: {  	[tilespmem:$0x87C0] =	vst v4  }
0x6c: {  	[tilespmem:$0x89C0] =	vst v5  }
0x6d: {  	[tilespmem:$0x87D0] =	vst v4  }
0x6e: {  	[tilespmem:$0x89D0] =	vst v5  }
0x6f: {  	[tilespmem:$0x87E0] =	vst v4  }
0x70: {  	[tilespmem:$0x89E0] =	vst v5  }
0x71: {  	[tilespmem:$0x87F0] =	vst v4  }
0x72: {  	[tilespmem:$0x89F0] =	vst v5  }
0x73: {  	[tilespmem:$0x8800] =	vst v4  }
0x74: {  	[tilespmem:$0x8A00] =	vst v5  }
0x75: {  	[tilespmem:$0x8810] =	vst v4  }
0x76: {  	[tilespmem:$0x8A10] =	vst v5  }
0x77: {  	[tilespmem:$0x8820] =	vst v4  }
0x78: {  	[tilespmem:$0x8A20] =	vst v5  }
0x79: {  	[tilespmem:$0x8830] =	vst v4  }
0x7a: {  	[tilespmem:$0x8A30] =	vst v5  }
0x7b: {  	[tilespmem:$0x8840] =	vst v4  }
0x7c: {  	[tilespmem:$0x8A40] =	vst v5  }
0x7d: {  	[tilespmem:$0x8850] =	vst v4  }
0x7e: {  	[tilespmem:$0x8A50] =	vst v5  }
0x7f: {  	[tilespmem:$0x8860] =	vst v4  }
0x80: {  	[tilespmem:$0x8A60] =	vst v5  }
0x81: {  	[tilespmem:$0x8870] =	vst v4  }
0x82: {  	[tilespmem:$0x8A70] =	vst v5  }
0x83: {  	[tilespmem:$0x8880] =	vst v4  }
0x84: {  	[tilespmem:$0x8A80] =	vst v5  }
0x85: {  	[tilespmem:$0x8890] =	vst v4  }
0x86: {  	[tilespmem:$0x8A90] =	vst v5  }
0x87: {  	[tilespmem:$0x88A0] =	vst v4  }
0x88: {  	[tilespmem:$0x8AA0] =	vst v5  }
0x89: {  	[tilespmem:$0x88B0] =	vst v4  }
0x8a: {  	[tilespmem:$0x8AB0] =	vst v5  }
0x8b: {  	[tilespmem:$0x88C0] =	vst v4  }
0x8c: {  	[tilespmem:$0x8AC0] =	vst v5  }
0x8d: {  	[tilespmem:$0x88D0] =	vst v4  }
0x8e: {  	[tilespmem:$0x8AD0] =	vst v5  }
0x8f: {  	[tilespmem:$0x88E0] =	vst v4  }
0x90: {  	s30 =	simm.s32 $0x0;
	[tilespmem:$0x8AE0] =	vst v5  }
0x91: {  	v15 =	vmov s30;
	[tilespmem:$0x88F0] =	vst v4  }
0x92: {  	v13 =	vmul.u32 $0x60, v15;
	[tilespmem:$0x8AF0] =	vst v5  }
0x93: {  	[tilespmem:$0x8900] =	vst v4  }
0x94: {  	v14 =	vadd.s32 v7, v13;
	[tilespmem:$0x8B00] =	vst v5  }
0x95: {  	v16 =	vor.u32 v3, v13;
	[tilespmem:$0x8910] =	vst v4  }
0x96: {  	v17 =	vor.u32 v6, v13;
	[tilespmem:$0x8B10] =	vst v5  }
0x97: {  	v18 =	vadd.s32 v8, v13;
	[tilespmem:$0x8920] =	vst v4  }
0x98: {  	v19 =	vadd.s32 v10, v13;
	[tilespmem:$0x8B20] =	vst v5  }
0x99: {  	v13 =	vadd.s32 v9, v13;
	v14 =	vld.idx.msk [tilespmem:v14+s16+$0x0], $0xffff  }
0x9a: {  	v16 =	vld.idx.msk [tilespmem:v16+s16+$0x0], $0xffff  }
0x9b: {  	v17 =	vld.idx.msk [tilespmem:v17+s16+$0x0], $0xffff  }
0x9c: {  	v18 =	vld.idx.msk [tilespmem:v18+s16+$0x0], $0xffff  }
0x9d: {  	v19 =	vld.idx.msk [tilespmem:v19+s16+$0x0], $0xffff  }
0x9e: {  	v13 =	vld.idx.msk [tilespmem:v13+s16+$0x0], $0xffff  }
0x9f: {  	v20 =	vmax.f32 v16, $-3.000000010e+38  }
0xa0: {  	v20 =	vmax.f32 v20, v17  }
0xa1: {  	v20 =	vmax.f32 v20, v14  }
0xa2: {  	v20 =	vmax.f32 v20, v18  }
0xa3: {  	v21 =	vnsel vm0, $0xFF61B1E6, v19;
	v20 =	vmax.f32 v20, v13  }
0xa4: {  	v20 =	vmax.f32 v20, v21  }
0xa5: {  	(xrf0) =	vmax.scan.msk.f32 $0xffff, v20;
	_ =	sdelay $0x5  }
0xa6: {  	v20, _, _ =	vpop (xrf0)  }
0xa7: {  	v20 =	vbroadcast v20, $0xF;
	_ =	sdelay $0x1  }
0xa8: {  	v16 =	vsub.f32 v16, v20;
	_ =	sdelay $0x1  }
0xa9: {  	v17 =	vsub.f32 v17, v20;
	v16 =	vmul.f32 $1.442695020e+00, v16  }
0xaa: {  	v19 =	vsub.f32 v19, v20  }
0xab: {  	v14 =	vsub.f32 v14, v20;
	v17 =	vmul.f32 $1.442695020e+00, v17;
	(erf) = vpow2.f32 v16  }
0xac: {  	v16 =	vmul.f32 $1.442695020e+00, v19  }
0xad: {  	v18 =	vsub.f32 v18, v20;
	v14 =	vmul.f32 $1.442695020e+00, v14;
	(erf) = vpow2.f32 v17  }
0xae: {  	(erf) = vpow2.f32 v16  }
0xaf: {  	v13 =	vsub.f32 v13, v20;
	v16 =	vmul.f32 $1.442695020e+00, v18;
	(erf) = vpow2.f32 v14;
	_ =	sdelay $0x1  }
0xb0: {  	v13 =	vmul.f32 $1.442695020e+00, v13;
	(erf) = vpow2.f32 v16;
	_ =	sdelay $0x1  }
0xb1: {  	(erf) = vpow2.f32 v13  }
0xb2: {  	v25 =	vpop (erf)  }
0xb3: {  	v13 =	vadd.f32 $0.0e+00, v25  }
0xb4: {  	v26 =	vpop (erf)  }
0xb5: {  	v14 =	vpop (erf);
	v13 =	vadd.f32 v13, v26  }
0xb6: {  	v27 =	vpop (erf)  }
0xb7: {  	v13 =	vadd.f32 v13, v27  }
0xb8: {  	v29 =	vpop (erf)  }
0xb9: {  	v13 =	vadd.f32 v13, v29  }
0xba: {  	v28 =	vpop (erf)  }
0xbb: {  	v13 =	vadd.f32 v13, v28  }
0xbc: {  	v24 =	vnsel vm0, $0x0, v14  }
0xbd: {  	v13 =	vadd.f32 v13, v24;
	_ =	sdelay $0x1  }
0xbe: {  	(xrf2) =	vadd.scan.msk.f32 $0xffff, v13;
	_ =	sdelay $0x4  }
0xbf: {  	s31 =	simm.s32 $0x1  }
0xc0: {  	v23 =	vmov s31  }
0xc1: {  	v21 =	vmul.u32 $0x60, v23;
	_ =	sdelay $0x1  }
0xc2: {  	v22 =	vadd.s32 v7, v21  }
0xc3: {  	v20 =	vadd.s32 v8, v21;
	v19 =	vadd.s32 v9, v21;
	v13 =	vmpcnt.ones.xlane vm2;
	v18, _, _ =	vpop (xrf2)  }
0xc4: {  	v17 =	vor.u32 v3, v21;
	v16 =	vimm.s32 $0x0;
	v30 =	vbroadcast v18, $0xF  }
0xc5: {  	v14 =	vmul.u32 $0x5B, v15;
	v12 =	vadd.s32 v12, v13;
	v13 =	vmul.u32 $0x5B, v23  }
0xc6: {  	s22 =	simm.s32 $0x2;
	v18 =	vor.u32 v6, v21;
	v21 =	vadd.s32 v10, v21;
	(erf) = vrcp.f32 v30  }
.LBB2_5:
0xc7: {  	p0 =	sne.s32 s22, $0x7F;
	s23 =	smov.u32 s22;
	s22 =	sadd.s32 $0x1, s22  }
0xc8: {  	_ =	sdelay $0x6  }
0xc9: {  	v30 =	vpop (erf)  }
0xca: {  	v25 =	vmul.f32 v30, v25;
	v26 =	vmul.f32 v30, v26  }
0xcb: {  	vm4 =	vlt.s32 v15, v12;
	v15 =	vmovc v23;
	v27 =	vmul.f32 v30, v27;
	v29 =	vmul.f32 v30, v29  }
0xcc: {  	v23 =	vmul.f32 v30, v28;
	vm2 =	vge.f32 v25, v11;
	vm3 =	vge.f32 v26, v11  }
0xcd: {  	vm7 =	vmand vm4, vm2;
	vm6 =	vmand vm4, vm3;
	vm2 =	vge.f32 v27, v11  }
0xce: {  	v28 =	vsel vm7, $0x1, v2;
	v31 =	vsel vm6, $0x1, v2;
	vm5 =	vmand vm4, vm2  }
0xcf: {  	vm8 =	vge.f32 v23, v11;
	vm2 =	vge.f32 v29, v11;
	v32 =	vsel vm5, $0x1, v2;
	(xrf0) =	vadd.scan.msk.s32 $0xffff, v28  }
0xd0: {  	v24 =	vmul.f32 v30, v24;
	vm3 =	vmand vm4, vm2;
	vm2 =	vmand vm4, vm8;
	(xrf0) =	vadd.scan.msk.s32 $0xffff, v31  }
0xd1: {  	v28 =	vsel vm3, $0x1, v2;
	v30 =	vsel vm2, $0x1, v2;
	(xrf0) =	vadd.scan.msk.s32 $0xffff, v32  }
0xd2: {  	vm8 =	vge.f32 v24, v11;
	(xrf0) =	vadd.scan.msk.s32 $0xffff, v28  }
0xd3: {  	v31 =	vmpcnt.ones.xlane vm2;
	vm4 =	vmand vm8, vm4;
	v28 =	vadd.s32 v3, v14  }
0xd4: {  	v33 =	vmpcnt.ones.xlane vm5;
	v32 =	vmpcnt.ones.xlane vm7;
	vm4 =	vmand vm4, vm1  }
0xd5: {  	v38 =	vmpcnt.ones.xlane vm6;
	v35 =	vsel vm4, $0x1, v2;
	v36 =	vmpcnt.ones.xlane vm4;
	v37, _, _ =	vpop (xrf0);
	(xrf0) =	vadd.scan.msk.s32 $0xffff, v30  }
0xd6: {  	v30 =	vadd.s32 v37, v16;
	v16 =	vadd.s32 v16, v32;
	v32 =	vmpcnt.ones.xlane vm3;
	v37, _, _ =	vpop (xrf0);
	(xrf0) =	vadd.scan.msk.s32 $0xffff, v35  }
0xd7: {  	v30 =	vadd.s32 $0xFFFFFFFF, v30;
	v35 =	vadd.s32 v37, v16;
	v16 =	vadd.s32 v16, v38;
	v34, _, _ =	vpop (xrf0)  }
0xd8: {  	vm8 =	vlt.s32 v30, $0x200;
	v35 =	vadd.s32 $0xFFFFFFFF, v35;
	v34 =	vadd.s32 v34, v16;
	v37, _, _ =	vpop (xrf0)  }
0xd9: {  	vm7 =	vmand vm7, vm8;
	vm8 =	vlt.s32 v35, $0x200;
	v34 =	vadd.s32 $0xFFFFFFFF, v34  }
0xda: {  	v16 =	vadd.s32 v16, v33;
	v30 =	vnsel vm7, $0x0, v30;
	vm9 =	vlt.s32 v34, $0x200  }
0xdb: {  	v33 =	vadd.s32 v37, v16;
	v16 =	vadd.s32 v16, v32;
	vm6 =	vmand vm6, vm8;
	v32, _, _ =	vpop (xrf0)  }
0xdc: {  	v33 =	vadd.s32 $0xFFFFFFFF, v33;
	v35 =	vnsel vm6, $0x0, v35;
	v32 =	vadd.s32 v32, v16;
	v37, _, _ =	vpop (xrf0)  }
0xdd: {  	vm5 =	vmand vm5, vm9;
	vm8 =	vlt.s32 v33, $0x200;
	v32 =	vadd.s32 $0xFFFFFFFF, v32  }
0xde: {  	v34 =	vnsel vm5, $0x0, v34;
	v16 =	vadd.s32 v16, v31;
	vm9 =	vlt.s32 v32, $0x200  }
0xdf: {  	vm3 =	vmand vm3, vm8;
	[tilespmem:v30+s19+$0x0] =	vst.idx.msk vm7, v25;
	v25 =	vadd.s32 v37, v16;
	v16 =	vadd.s32 v16, v36  }
0xe0: {  	[tilespmem:v30+s20+$0x0] =	vst.idx.msk vm7, v28;
	v28 =	vnsel vm3, $0x0, v33;
	v25 =	vadd.s32 $0xFFFFFFFF, v25  }
0xe1: {  	vm2 =	vmand vm2, vm9;
	[tilespmem:v35+s19+$0x0] =	vst.idx.msk vm6, v26;
	v26 =	vadd.s32 v6, v14;
	vm7 =	vlt.s32 v25, $0x200  }
0xe2: {  	[tilespmem:v35+s20+$0x0] =	vst.idx.msk vm6, v26;
	v26 =	vnsel vm2, $0x0, v32  }
0xe3: {  	vm4 =	vmand vm4, vm7;
	[tilespmem:v34+s19+$0x0] =	vst.idx.msk vm5, v27;
	v27 =	vadd.s32 v7, v14  }
0xe4: {  	v25 =	vnsel vm4, $0x0, v25;
	[tilespmem:v34+s20+$0x0] =	vst.idx.msk vm5, v27  }
0xe5: {  	v27 =	vadd.s32 v8, v14;
	[tilespmem:v28+s19+$0x0] =	vst.idx.msk vm3, v29  }
0xe6: {  	[tilespmem:v28+s20+$0x0] =	vst.idx.msk vm3, v27  }
0xe7: {  	[tilespmem:v26+s19+$0x0] =	vst.idx.msk vm2, v23;
	v23 =	vadd.s32 v9, v14  }
0xe8: {  	[tilespmem:v26+s20+$0x0] =	vst.idx.msk vm2, v23  }
0xe9: {  	v23 =	vadd.s32 v10, v14;
	v14 =	vmov v13;
	[tilespmem:v25+s19+$0x0] =	vst.idx.msk vm4, v24  }
0xea: {  	[tilespmem:v25+s20+$0x0] =	vst.idx.msk vm4, v23  }
0xeb: {  	v13 =	vld.idx.msk [tilespmem:v22+s16+$0x0], $0xffff  }
0xec: {  	v17 =	vld.idx.msk [tilespmem:v17+s16+$0x0], $0xffff  }
0xed: {  	v18 =	vld.idx.msk [tilespmem:v18+s16+$0x0], $0xffff  }
0xee: {  	v20 =	vld.idx.msk [tilespmem:v20+s16+$0x0], $0xffff  }
0xef: {  	v21 =	vld.idx.msk [tilespmem:v21+s16+$0x0], $0xffff  }
0xf0: {  	v19 =	vld.idx.msk [tilespmem:v19+s16+$0x0], $0xffff;
	_ =	sdelay $0x1  }
0xf1: {  	v22 =	vmax.f32 v17, $-3.000000010e+38  }
0xf2: {  	v22 =	vmax.f32 v22, v18  }
0xf3: {  	v22 =	vmax.f32 v22, v13  }
0xf4: {  	v22 =	vmax.f32 v22, v20  }
0xf5: {  	v23 =	vnsel vm0, $0xFF61B1E6, v21;
	v22 =	vmax.f32 v22, v19  }
0xf6: {  	v22 =	vmax.f32 v22, v23  }
0xf7: {  	(xrf0) =	vmax.scan.msk.f32 $0xffff, v22;
	_ =	sdelay $0x5  }
0xf8: {  	v22, _, _ =	vpop (xrf0)  }
0xf9: {  	v22 =	vbroadcast v22, $0xF;
	_ =	sdelay $0x1  }
0xfa: {  	v17 =	vsub.f32 v17, v22;
	v18 =	vsub.f32 v18, v22  }
0xfb: {  	v13 =	vsub.f32 v13, v22;
	v20 =	vsub.f32 v20, v22  }
0xfc: {  	v19 =	vsub.f32 v19, v22;
	v17 =	vmul.f32 $1.442695020e+00, v17;
	v18 =	vmul.f32 $1.442695020e+00, v18  }
0xfd: {  	v21 =	vsub.f32 v21, v22;
	v13 =	vmul.f32 $1.442695020e+00, v13;
	v20 =	vmul.f32 $1.442695020e+00, v20  }
0xfe: {  	v19 =	vmul.f32 $1.442695020e+00, v19;
	(erf) = vpow2.f32 v17  }
0xff: {  	v17 =	vmul.f32 $1.442695020e+00, v21  }
0x100: {  	(erf) = vpow2.f32 v18  }
0x101: {  	(erf) = vpow2.f32 v17  }
0x102: {  	(erf) = vpow2.f32 v13;
	_ =	sdelay $0x1  }
0x103: {  	(erf) = vpow2.f32 v20;
	_ =	sdelay $0x1  }
0x104: {  	(erf) = vpow2.f32 v19  }
0x105: {  	v25 =	vpop (erf)  }
0x106: {  	v13 =	vadd.f32 $0.0e+00, v25  }
0x107: {  	v26 =	vpop (erf)  }
0x108: {  	v13 =	vadd.f32 v13, v26;
	v17 =	vpop (erf)  }
0x109: {  	v27 =	vpop (erf)  }
0x10a: {  	v13 =	vadd.f32 v13, v27  }
0x10b: {  	v29 =	vpop (erf)  }
0x10c: {  	v13 =	vadd.f32 v13, v29  }
0x10d: {  	v28 =	vpop (erf)  }
0x10e: {  	v13 =	vadd.f32 v13, v28  }
0x10f: {  	v24 =	vnsel vm0, $0x0, v17  }
0x110: {  	v13 =	vadd.f32 v13, v24;
	_ =	sdelay $0x1  }
0x111: {  	(xrf2) =	vadd.scan.msk.f32 $0xffff, v13;
	_ =	sdelay $0x7  }
0x112: {  	v23 =	vmov s23  }
.Ltmp2:
0x113: {  	v21 =	vmul.u32 $0x60, v23;
	v13 =	vmul.u32 $0x5B, v23;
	(pc) =	sbr.rel @p0 .LBB2_5-.Ltmp2, $4  }
0x114: {  	v19, _, _ =	vpop (xrf2)  }
0x115: {  	v18 =	vor.u32 v6, v21;
	v17 =	vor.u32 v3, v21;
	v30 =	vbroadcast v19, $0xF  }
0x116: {  	v22 =	vadd.s32 v7, v21;
	v20 =	vadd.s32 v8, v21  }
0x117: {  	v19 =	vadd.s32 v9, v21;
	v21 =	vadd.s32 v10, v21;
	(erf) = vrcp.f32 v30  }
0x118: {  	_ =	sdelay $0x7  }
0x119: {  	v30 =	vpop (erf)  }
0x11a: {  	v25 =	vmul.f32 v30, v25;
	_ =	sdelay $0x1  }
0x11b: {  	vm2 =	vlt.s32 v15, v12;
	v26 =	vmul.f32 v30, v26;
	vm3 =	vge.f32 v25, v11  }
0x11c: {  	vm7 =	vmand vm2, vm3  }
0x11d: {  	v62 =	vmul.f32 v30, v27;
	vm3 =	vge.f32 v26, v11;
	v38 =	vsel vm7, $0x1, v2  }
0x11e: {  	v63 =	vmul.f32 v30, v29;
	vm6 =	vmand vm2, vm3;
	(xrf0) =	vadd.scan.msk.s32 $0xffff, v38  }
0x11f: {  	v28 =	vmul.f32 v30, v28;
	vm3 =	vge.f32 v62, v11;
	v39 =	vsel vm6, $0x1, v2  }
0x120: {  	v42 =	vadd.s32 v3, v14;
	v24 =	vmul.f32 v30, v24;
	vm5 =	vmand vm2, vm3;
	(xrf0) =	vadd.scan.msk.s32 $0xffff, v39  }
0x121: {  	vm8 =	vge.f32 v28, v11;
	vm3 =	vge.f32 v63, v11;
	v31 =	vsel vm5, $0x1, v2  }
0x122: {  	vm14 =	vge.f32 v24, v11;
	v43 =	vmpcnt.ones.xlane vm7;
	vm4 =	vmand vm2, vm3;
	(xrf0) =	vadd.scan.msk.s32 $0xffff, v31  }
0x123: {  	v35 =	vmpcnt.ones.xlane vm6;
	vm3 =	vmand vm2, vm8;
	v40 =	vsel vm4, $0x1, v2  }
0x124: {  	vm2 =	vmand vm14, vm2;
	v33 =	vmpcnt.ones.xlane vm5;
	v44 =	vadd.s32 v16, v43;
	(xrf0) =	vadd.scan.msk.s32 $0xffff, v40;
	v34, _, _ =	vpop (xrf0)  }
0x125: {  	v41 =	vsel vm3, $0x1, v2;
	v32 =	vmpcnt.ones.xlane vm3;
	v34 =	vadd.s32 v34, v16  }
0x126: {  	vm2 =	vmand vm2, vm1;
	v47 =	vmpcnt.ones.xlane vm4;
	(xrf0) =	vadd.scan.msk.s32 $0xffff, v41;
	v45, _, _ =	vpop (xrf0);
	v46 =	vadd.s32 $0xFFFFFFFF, v34  }
0x127: {  	v36 =	vsel vm2, $0x1, v2;
	v29 =	vadd.s32 v45, v44;
	vm15 =	vlt.s32 v46, $0x200  }
0x128: {  	(xrf0) =	vadd.scan.msk.s32 $0xffff, v36;
	v16 =	vadd.s32 v44, v35;
	v48, _, _ =	vpop (xrf0);
	v29 =	vadd.s32 $0xFFFFFFFF, v29;
	vm7 =	vmand vm7, vm15  }
0x129: {  	v35 =	vadd.s32 v48, v16;
	vm12 =	vlt.s32 v29, $0x200;
	v30 =	vnsel vm7, $0x0, v46  }
0x12a: {  	v49, _, _ =	vpop (xrf0);
	v16 =	vadd.s32 v16, v33;
	v35 =	vadd.s32 $0xFFFFFFFF, v35;
	vm6 =	vmand vm6, vm12  }
0x12b: {  	v33 =	vadd.s32 v49, v16;
	vm13 =	vlt.s32 v35, $0x200;
	v29 =	vnsel vm6, $0x0, v29  }
0x12c: {  	v16 =	vadd.s32 v16, v47;
	v33 =	vadd.s32 $0xFFFFFFFF, v33;
	v50, _, _ =	vpop (xrf0);
	vm5 =	vmand vm5, vm13  }
0x12d: {  	vm14 =	vlt.s32 v33, $0x200;
	v34 =	vadd.s32 v50, v16;
	v35 =	vnsel vm5, $0x0, v35  }
0x12e: {  	v51, _, _ =	vpop (xrf0);
	v16 =	vadd.s32 v16, v32;
	vm4 =	vmand vm4, vm14;
	v34 =	vadd.s32 $0xFFFFFFFF, v34;
	[tilespmem:v30+s19+$0x0] =	vst.idx.msk vm7, v25  }
0x12f: {  	v52 =	vadd.s32 v51, v16;
	v53 =	vnsel vm4, $0x0, v33;
	vm15 =	vlt.s32 v34, $0x200;
	[tilespmem:v30+s20+$0x0] =	vst.idx.msk vm7, v42  }
0x130: {  	v54 =	vadd.s32 v6, v14;
	v25 =	vadd.s32 $0xFFFFFFFF, v52;
	vm3 =	vmand vm3, vm15;
	[tilespmem:v29+s19+$0x0] =	vst.idx.msk vm6, v26  }
0x131: {  	vm12 =	vlt.s32 v25, $0x200;
	v55 =	vnsel vm3, $0x0, v34;
	[tilespmem:v29+s20+$0x0] =	vst.idx.msk vm6, v54  }
0x132: {  	v56 =	vadd.s32 v7, v14;
	vm13 =	vmand vm2, vm12;
	[tilespmem:v35+s19+$0x0] =	vst.idx.msk vm5, v62  }
0x133: {  	v57 =	vnsel vm13, $0x0, v25;
	[tilespmem:v35+s20+$0x0] =	vst.idx.msk vm5, v56  }
0x134: {  	v58 =	vadd.s32 v8, v14;
	[tilespmem:v53+s19+$0x0] =	vst.idx.msk vm4, v63  }
0x135: {  	[tilespmem:v53+s20+$0x0] =	vst.idx.msk vm4, v58  }
0x136: {  	v59 =	vadd.s32 v9, v14;
	[tilespmem:v55+s19+$0x0] =	vst.idx.msk vm3, v28  }
0x137: {  	[tilespmem:v55+s20+$0x0] =	vst.idx.msk vm3, v59  }
0x138: {  	v60 =	vadd.s32 v10, v14;
	[tilespmem:v57+s19+$0x0] =	vst.idx.msk vm13, v24  }
0x139: {  	[tilespmem:v57+s20+$0x0] =	vst.idx.msk vm13, v60  }
0x13a: {  	v14 =	vld.idx.msk [tilespmem:v22+s16+$0x0], $0xffff  }
0x13b: {  	v15 =	vld.idx.msk [tilespmem:v17+s16+$0x0], $0xffff  }
0x13c: {  	v61 =	vld.idx.msk [tilespmem:v18+s16+$0x0], $0xffff  }
0x13d: {  	v62 =	vld.idx.msk [tilespmem:v20+s16+$0x0], $0xffff  }
0x13e: {  	v63 =	vld.idx.msk [tilespmem:v21+s16+$0x0], $0xffff  }
0x13f: {  	v19 =	vld.idx.msk [tilespmem:v19+s16+$0x0], $0xffff  }
0x140: {  	v24 =	vmax.f32 v15, $-3.000000010e+38  }
0x141: {  	v21 =	vmax.f32 v24, v61  }
0x142: {  	v21 =	vmax.f32 v21, v14  }
0x143: {  	v21 =	vmax.f32 v21, v62  }
0x144: {  	v25 =	vnsel vm0, $0xFF61B1E6, v63;
	v21 =	vmax.f32 v21, v19  }
0x145: {  	v21 =	vmax.f32 v21, v25  }
0x146: {  	(xrf0) =	vmax.scan.msk.f32 $0xffff, v21;
	_ =	sdelay $0x5  }
0x147: {  	v21, _, _ =	vpop (xrf0)  }
0x148: {  	v21 =	vbroadcast v21, $0xF;
	_ =	sdelay $0x1  }
0x149: {  	v15 =	vsub.f32 v15, v21;
	_ =	sdelay $0x1  }
0x14a: {  	v17 =	vsub.f32 v61, v21;
	v15 =	vmul.f32 $1.442695020e+00, v15  }
0x14b: {  	v20 =	vsub.f32 v63, v21  }
0x14c: {  	v14 =	vsub.f32 v14, v21;
	v17 =	vmul.f32 $1.442695020e+00, v17;
	(erf) = vpow2.f32 v15  }
0x14d: {  	v26 =	vmul.f32 $1.442695020e+00, v20  }
0x14e: {  	v18 =	vsub.f32 v62, v21;
	v14 =	vmul.f32 $1.442695020e+00, v14;
	(erf) = vpow2.f32 v17  }
0x14f: {  	(erf) = vpow2.f32 v26  }
0x150: {  	v27 =	vsub.f32 v19, v21;
	v28 =	vmul.f32 $1.442695020e+00, v18;
	(erf) = vpow2.f32 v14;
	_ =	sdelay $0x1  }
0x151: {  	v29 =	vmul.f32 $1.442695020e+00, v27;
	(erf) = vpow2.f32 v28;
	_ =	sdelay $0x1  }
0x152: {  	(erf) = vpow2.f32 v29  }
0x153: {  	v30 =	vpop (erf)  }
0x154: {  	v31 =	vadd.f32 $0.0e+00, v30  }
0x155: {  	v32 =	vpop (erf)  }
0x156: {  	v33 =	vpop (erf);
	v15 =	vadd.f32 v31, v32  }
0x157: {  	v34 =	vpop (erf)  }
0x158: {  	v15 =	vadd.f32 v15, v34  }
0x159: {  	v35 =	vpop (erf)  }
0x15a: {  	v15 =	vadd.f32 v15, v35  }
0x15b: {  	v36 =	vpop (erf)  }
0x15c: {  	v15 =	vadd.f32 v15, v36  }
0x15d: {  	v18 =	vnsel vm0, $0x0, v33  }
0x15e: {  	v15 =	vadd.f32 v15, v18;
	_ =	sdelay $0x1  }
0x15f: {  	(xrf2) =	vadd.scan.msk.f32 $0xffff, v15;
	_ =	sdelay $0x9  }
0x160: {  	v15, _, _ =	vpop (xrf2)  }
0x161: {  	v15 =	vbroadcast v15, $0xF;
	_ =	sdelay $0x1  }
0x162: {  	(erf) = vrcp.f32 v15;
	_ =	sdelay $0x8  }
0x163: {  	v15 =	vpop (erf)  }
0x164: {  	v14 =	vmul.f32 v15, v30;
	_ =	sdelay $0x1  }
0x165: {  	vm14 =	vlt.s32 v23, v12;
	v17 =	vmul.f32 v15, v32;
	vm3 =	vge.f32 v14, v11  }
0x166: {  	v40 =	vmpcnt.ones.xlane vm2;
	vm15 =	vmand vm14, vm3  }
0x167: {  	v37 =	vmul.f32 v15, v34;
	vm3 =	vge.f32 v17, v11;
	v39 =	vsel vm15, $0x1, v2  }
0x168: {  	v38 =	vmul.f32 v15, v35;
	v21 =	vmul.f32 v15, v36;
	vm6 =	vmand vm14, vm3;
	(xrf0) =	vadd.scan.msk.s32 $0xffff, v39  }
0x169: {  	v15 =	vmul.f32 v15, v18;
	vm3 =	vge.f32 v37, v11;
	v41 =	vsel vm6, $0x1, v2  }
0x16a: {  	v16 =	vadd.s32 v16, v40;
	vm2 =	vge.f32 v38, v11;
	vm5 =	vmand vm14, vm3;
	(xrf0) =	vadd.scan.msk.s32 $0xffff, v41  }
0x16b: {  	vm12 =	vge.f32 v21, v11;
	vm13 =	vge.f32 v15, v11;
	v42 =	vsel vm5, $0x1, v2  }
0x16c: {  	vm4 =	vmand vm13, vm14;
	v11 =	vadd.s32 v3, v13;
	vm3 =	vmand vm14, vm2;
	(xrf0) =	vadd.scan.msk.s32 $0xffff, v42  }
0x16d: {  	v46 =	vmpcnt.ones.xlane vm15;
	vm4 =	vmand vm4, vm1;
	v43 =	vsel vm3, $0x1, v2  }
0x16e: {  	vm2 =	vmand vm14, vm12;
	v49 =	vmpcnt.ones.xlane vm6;
	v50 =	vsel vm4, $0x1, v2;
	(xrf0) =	vadd.scan.msk.s32 $0xffff, v43;
	v48, _, _ =	vpop (xrf0)  }
0x16f: {  	v44 =	vsel vm2, $0x1, v2;
	v45 =	vmpcnt.ones.xlane vm2;
	v24 =	vadd.s32 v48, v16  }
0x170: {  	v47 =	vmpcnt.ones.xlane vm5;
	(xrf0) =	vadd.scan.msk.s32 $0xffff, v44;
	v16 =	vadd.s32 v16, v46;
	v51, _, _ =	vpop (xrf0);
	v52 =	vadd.s32 $0xFFFFFFFF, v24  }
0x171: {  	v53 =	vmpcnt.ones.xlane vm3;
	v18 =	vadd.s32 v51, v16;
	vm14 =	vlt.s32 v52, $0x200  }
0x172: {  	(xrf0) =	vadd.scan.msk.s32 $0xffff, v50;
	v16 =	vadd.s32 v16, v49;
	v54, _, _ =	vpop (xrf0);
	v18 =	vadd.s32 $0xFFFFFFFF, v18;
	vm7 =	vmand vm15, vm14  }
0x173: {  	v25 =	vadd.s32 v54, v16;
	vm15 =	vlt.s32 v18, $0x200;
	v20 =	vnsel vm7, $0x0, v52  }
0x174: {  	v55, _, _ =	vpop (xrf0);
	v16 =	vadd.s32 v16, v47;
	v25 =	vadd.s32 $0xFFFFFFFF, v25;
	vm6 =	vmand vm6, vm15  }
0x175: {  	v23 =	vadd.s32 v55, v16;
	vm12 =	vlt.s32 v25, $0x200;
	v18 =	vnsel vm6, $0x0, v18  }
0x176: {  	v16 =	vadd.s32 v16, v53;
	v23 =	vadd.s32 $0xFFFFFFFF, v23;
	v56, _, _ =	vpop (xrf0);
	vm5 =	vmand vm5, vm12  }
0x177: {  	vm13 =	vlt.s32 v23, $0x200;
	v24 =	vadd.s32 v56, v16;
	v25 =	vnsel vm5, $0x0, v25  }
0x178: {  	v57, _, _ =	vpop (xrf0);
	v16 =	vadd.s32 v16, v45;
	vm3 =	vmand vm3, vm13;
	v24 =	vadd.s32 $0xFFFFFFFF, v24;
	[tilespmem:v20+s19+$0x0] =	vst.idx.msk vm7, v14  }
0x179: {  	v58 =	vadd.s32 v57, v16;
	vm14 =	vlt.s32 v24, $0x200;
	[tilespmem:v20+s20+$0x0] =	vst.idx.msk vm7, v11;
	v11 =	vnsel vm3, $0x0, v23  }
0x17a: {  	v59 =	vadd.s32 v6, v13;
	v14 =	vadd.s32 $0xFFFFFFFF, v58;
	vm2 =	vmand vm2, vm14;
	[tilespmem:v18+s19+$0x0] =	vst.idx.msk vm6, v17  }
0x17b: {  	vm15 =	vlt.s32 v14, $0x200;
	v60 =	vnsel vm2, $0x0, v24;
	[tilespmem:v18+s20+$0x0] =	vst.idx.msk vm6, v59  }
0x17c: {  	v61 =	vadd.s32 v7, v13;
	vm4 =	vmand vm4, vm15;
	[tilespmem:v25+s19+$0x0] =	vst.idx.msk vm5, v37  }
0x17d: {  	v62 =	vnsel vm4, $0x0, v14;
	[tilespmem:v25+s20+$0x0] =	vst.idx.msk vm5, v61  }
0x17e: {  	v63 =	vadd.s32 v8, v13;
	[tilespmem:v11+s19+$0x0] =	vst.idx.msk vm3, v38  }
0x17f: {  	[tilespmem:v11+s20+$0x0] =	vst.idx.msk vm3, v63  }
0x180: {  	v11 =	vadd.s32 v9, v13;
	[tilespmem:v60+s19+$0x0] =	vst.idx.msk vm2, v21  }
0x181: {  	[tilespmem:v60+s20+$0x0] =	vst.idx.msk vm2, v11  }
0x182: {  	v11 =	vadd.s32 v10, v13;
	[tilespmem:v62+s19+$0x0] =	vst.idx.msk vm4, v15  }
0x183: {  	[tilespmem:v62+s20+$0x0] =	vst.idx.msk vm4, v11  }
0x184: {  	[hbm4b:s6+s2] =	stream.linear.scatter [tilespmem:s19], [sflag:$0x2], $0x200, $0x38;
	[tilespmem:$0x8B30] =	vst v63  }
0x185: {  	_ =	swait.ge [sflag:s11], $0x200  }
0x186: {  	[sflag:s11] =	ssyncset.done $0x0  }
0x187: {  	[sflag:s11] =	ssyncadd.s32 $0xFFFFFE00  }
0x188: {  	[hbm4b:s7+s2] =	stream.linear.scatter [tilespmem:s20], [sflag:$0x2], $0x200, $0x38;
	[tilespmem:$0x8B30] =	vst v63  }
0x189: {  	s21 =	sadd.s32 $0x1, s21;
	_ =	swait.ge [sflag:s11], $0x200  }
0x18a: {  	p0 =	sne.s32 s21, s10;
	[sflag:s11] =	ssyncset.done $0x0  }
.Ltmp3:
0x18b: {  	[sflag:s11] =	ssyncadd.s32 $0xFFFFFE00;
	(pc) =	sbr.rel @p0 .LBB2_2-.Ltmp3, $4  }
0x18c: {  	[hbm4b:s8+s2] =	stream.linear.scatter [tilespmem:s18], [sflag:$0x2], $0x800, $0x38;
	[tilespmem:$0x8B30] =	vst v63  }
0x18d: {  	_ =	swait.ge [sflag:s11], $0x800  }
0x18e: {  	[sflag:s11] =	ssyncset.done $0x0  }
0x18f: {  	[sflag:s11] =	ssyncadd.s32 $0xFFFFF800  }
.LBB2_7:
0x190: {  	_ =	sfence.sel $0x180000  }
0x191: {  	[bflag:$0x0] =	sbarrier.arrive $0xFFFF  }
0x192: {  	p0 =	sne.s32 s1, $0x0;
	_ =	strace $0x90000047  }
0x193: {  	s0 =	sadd.s32 @!p0 $0x100000, s0;
	[bflag:$0x2] =	sbarrier.arrive $0xFFFF  }
0x194: {  	[sflag:s0] =	ssyncadd.tile.s32 @!p0 $0x1;
	_ =	shalt  }
.Lfunc_end2:
_tile_overlayer_lowered:
.L_overlay_start_2:
0x195: {  	(tag) =	ssettag $0x2  }
0x196: {  	s0 =	rddreg [dreg:$0x0];
	s2 =	stileid.u32  }
0x197: {  	s1 =	rddreg [dreg:$0x1];
	p0 =	sne.s32 s2, $0x0  }
0x198: {  	s3 =	rddreg [dreg:$0x2];
	[bflag:$0x3] =	sbarrier.arrive $0xFFFF;
	s2 =	simm.s32 @!p0 $0x1C02  }
0x199: {  	[timem:s3], [sflag:s2] =	dma.local @!p0 [hbm:s0], s1  }
0x19a: {  	s0 =	simm.s32 @!p0 $0x2  }
0x19b: {  	_ =	swait.ge @!p0 [sflag:s0], s1  }
0x19c: {  	s1 =	ssub.s32 @!p0 $0x0, s1;
	[sflag:s0] =	ssyncset.done @!p0 $0x0  }
0x19d: {  	[sflag:s0] =	ssyncadd.s32 @!p0 s1  }
0x19e: {  	[bflag:$0x3] =	sbarrier.arrive $0xFFFF  }
0x19f: {  	_ =	shalt  }

</sc_bundles>
